<compile_context>
chip_gen: v7x
topology: tpu7x:2x2x1
jax: 0.10.2.dev20260603
libtpu: 0.0.44.dev20260713+nightly
codegen_flags: <defaults>
</compile_context>

<pallas_src>
import functools

import jax
import jax.numpy as jnp
from jax import lax
from jax.experimental import pallas as pl
from jax.experimental.pallas import tpu as pltpu
from jax.experimental.pallas import tpu_sc as plsc

N_NODES = 10000
N_EDGES = 320000
NUM_GAUSSIANS = 128
NUM_FILTERS = 128
CUTOFF = 5.0
GAUSSIAN_WIDTH = CUTOFF / (NUM_GAUSSIANS - 1)

T = 512
TROWS = 640
SCALE = T / CUTOFF
TPK = (T + 2) * 64

NC, NS = 2, 16
NW = NC * NS
C = 64
NCHUNK = N_EDGES // C
NITER = -(-NCHUNK // NW)


def _ssp(x):
    return jnp.maximum(x, 0.0) + jnp.log(1.0 + jnp.exp(-jnp.abs(x))) - 0.6931471805599453


def _table_body(w1_ref, b1_ref, w2_ref, b2_ref, o_ref):
    i = pl.program_id(0)
    rows = lax.broadcasted_iota(jnp.int32, (128, NUM_GAUSSIANS), 0).astype(jnp.float32)
    cols = lax.broadcasted_iota(jnp.int32, (128, NUM_GAUSSIANS), 1).astype(jnp.float32)
    r = (rows + jnp.float32(i) * 128.0) * (CUTOFF / T)
    c = cols * GAUSSIAN_WIDTH
    g = jnp.exp(-((r - c) ** 2) / (2.0 * GAUSSIAN_WIDTH * GAUSSIAN_WIDTH))
    y = _ssp(jnp.dot(g, w1_ref[...], preferred_element_type=jnp.float32) + b1_ref[...])
    w = _ssp(jnp.dot(y, w2_ref[...], preferred_element_type=jnp.float32) + b2_ref[...])
    cut = jnp.where(r < CUTOFF, 0.5 * jnp.cos((jnp.pi / CUTOFF) * r) + 0.5, 0.0)
    o_ref[...] = w * cut


_build_table = pl.pallas_call(
    _table_body,
    grid=(TROWS // 128,),
    in_specs=[
        pl.BlockSpec((NUM_GAUSSIANS, NUM_FILTERS), lambda i: (0, 0)),
        pl.BlockSpec((1, NUM_FILTERS), lambda i: (0, 0)),
        pl.BlockSpec((NUM_FILTERS, NUM_FILTERS), lambda i: (0, 0)),
        pl.BlockSpec((1, NUM_FILTERS), lambda i: (0, 0)),
    ],
    out_specs=pl.BlockSpec((128, NUM_FILTERS), lambda i: (i, 0)),
    out_shape=jax.ShapeDtypeStruct((TROWS, NUM_FILTERS), jnp.float32),
)


def _idx_body(src_hbm, dst_hbm, px_hbm, py_hbm, pz_hbm,
              idx_hbm, frac_hbm,
              px_v, py_v, pz_v, srcb, dstb, idxb, fracb):
    cid = lax.axis_index("c")
    sid = lax.axis_index("s")
    wid = cid * NS + sid

    pltpu.sync_copy(px_hbm, px_v)
    pltpu.sync_copy(py_hbm, py_v)
    pltpu.sync_copy(pz_hbm, pz_v)

    @pl.loop(0, NITER)
    def _p(j):
        ch = j * NW + wid

        @pl.when(ch < NCHUNK)
        def _chunk():
            base = ch * C
            pltpu.sync_copy(src_hbm.at[pl.ds(base, C)], srcb)
            pltpu.sync_copy(dst_hbm.at[pl.ds(base, C)], dstb)
            for k in range(C // 16):
                off = k * 16
                sv = srcb[pl.ds(off, 16)]
                dv = dstb[pl.ds(off, 16)]
                dx = plsc.load_gather(px_v, [sv]) - plsc.load_gather(px_v, [dv])
                dy = plsc.load_gather(py_v, [sv]) - plsc.load_gather(py_v, [dv])
                dz = plsc.load_gather(pz_v, [sv]) - plsc.load_gather(pz_v, [dv])
                rsq = dx * dx + dy * dy + dz * dz + 1e-12
                ii = jnp.int32(0x5F3759DF) - (plsc.bitcast(rsq, jnp.int32) >> 1)
                yv = plsc.bitcast(ii, jnp.float32)
                yv = yv * (1.5 - 0.5 * rsq * yv * yv)
                yv = yv * (1.5 - 0.5 * rsq * yv * yv)
                rr = rsq * yv
                t_ = rr * SCALE
                idx = jnp.minimum(t_.astype(jnp.int32), T)
                idxb[pl.ds(off, 16)] = idx
                fracb[pl.ds(off, 16)] = t_ - idx.astype(jnp.float32)
            pltpu.sync_copy(idxb, idx_hbm.at[pl.ds(base, C)])
            pltpu.sync_copy(fracb, frac_hbm.at[pl.ds(base, C)])


_idx_kernel = functools.partial(
    pl.kernel,
    out_type=(jax.ShapeDtypeStruct((N_EDGES,), jnp.int32),
              jax.ShapeDtypeStruct((N_EDGES,), jnp.float32)),
    mesh=plsc.VectorSubcoreMesh(core_axis_name="c", subcore_axis_name="s"),
    compiler_params=pltpu.CompilerParams(needs_layout_passes=False),
    scratch_types=[
        pltpu.VMEM((N_NODES,), jnp.float32),
        pltpu.VMEM((N_NODES,), jnp.float32),
        pltpu.VMEM((N_NODES,), jnp.float32),
        pltpu.VMEM((C,), jnp.int32),
        pltpu.VMEM((C,), jnp.int32),
        pltpu.VMEM((C,), jnp.int32),
        pltpu.VMEM((C,), jnp.float32),
    ],
)(_idx_body)


def _edge_body(src_hbm, dst_hbm, idx_hbm, frac_hbm, tpk_hbm, feat_hbm,
               out_hbm,
               tpk_v, srcb, dstb, tblb, fracb, inp_rows,
               shared, sem_a):
    cid = lax.axis_index("c")
    sid = lax.axis_index("s")
    wid = cid * NS + sid

    pltpu.sync_copy(tpk_hbm, tpk_v)

    @pl.loop(0, C)
    def _zb(e):
        for k in range(8):
            inp_rows[e, pl.ds(k * 16, 16)] = jnp.zeros((16,), jnp.float32)

    nz = N_NODES // C
    for t in range(-(-nz // NS)):
        ch = sid + NS * t

        @pl.when(ch < nz)
        def _z():
            pltpu.sync_copy(inp_rows, shared.at[pl.ds(ch * C, C)])

    @pl.when(sid == 0)
    def _ztail():
        pltpu.sync_copy(inp_rows.at[pl.ds(0, N_NODES - nz * C)],
                        shared.at[pl.ds(nz * C, N_NODES - nz * C)])

    plsc.subcore_barrier()

    @pl.loop(0, NITER)
    def _p(j):
        ch = j * NW + wid

        @pl.when(ch < NCHUNK)
        def _chunk():
            base = ch * C
            pltpu.sync_copy(src_hbm.at[pl.ds(base, C)], srcb)
            cp1 = pltpu.async_copy(feat_hbm.at[srcb], inp_rows, sem_a)
            pltpu.sync_copy(dst_hbm.at[pl.ds(base, C)], dstb)
            pltpu.sync_copy(idx_hbm.at[pl.ds(base, C)], tblb)
            pltpu.sync_copy(frac_hbm.at[pl.ds(base, C)], fracb)
            cp1.wait()

            lanes = lax.iota(jnp.int32, 16)
            halfw = lanes >> 1
            shv = (lanes & 1) * 16

            @pl.loop(0, C)
            def _mul(e):
                g = (e >> 4) << 4
                l = e & 15
                m = lanes == l
                idxv = tblb[pl.ds(g, 16)]
                frv = fracb[pl.ds(g, 16)]
                idx_e = jnp.sum(jnp.where(m, idxv, 0))
                fr = jnp.broadcast_to(jnp.sum(jnp.where(m, frv, 0.0)), (16,))
                rowbase = jnp.broadcast_to(idx_e * 64, (16,)) + halfw
                for k in range(8):
                    iv = rowbase + 8 * k
                    wlo = plsc.load_gather(tpk_v, [iv])
                    whi = plsc.load_gather(tpk_v, [iv + 64])
                    lo = plsc.bitcast(
                        lax.shift_left(lax.shift_right_logical(wlo, shv), 16),
                        jnp.float32)
                    hi = plsc.bitcast(
                        lax.shift_left(lax.shift_right_logical(whi, shv), 16),
                        jnp.float32)
                    sl = pl.ds(k * 16, 16)
                    inp_rows[e, sl] = inp_rows[e, sl] * (lo + fr * (hi - lo))

            pltpu.sync_copy(inp_rows, shared.at[dstb], add=True)

    plsc.subcore_barrier()

    @pl.when(sid == 0)
    def _dump():
        pltpu.sync_copy(shared, out_hbm.at[cid])


_edge_kernel = functools.partial(
    pl.kernel,
    out_type=jax.ShapeDtypeStruct((NC, N_NODES, NUM_FILTERS), jnp.float32),
    mesh=plsc.VectorSubcoreMesh(core_axis_name="c", subcore_axis_name="s"),
    compiler_params=pltpu.CompilerParams(needs_layout_passes=False),
    scratch_types=[
        pltpu.VMEM((TPK,), jnp.int32),
        pltpu.VMEM((C,), jnp.int32),
        pltpu.VMEM((C,), jnp.int32),
        pltpu.VMEM((C,), jnp.int32),
        pltpu.VMEM((C,), jnp.float32),
        pltpu.VMEM((C, NUM_FILTERS), jnp.float32),
        pltpu.VMEM_SHARED((N_NODES, NUM_FILTERS), jnp.float32),
        pltpu.SemaphoreType.DMA,
    ],
)(_edge_body)


def _sum_body(p_ref, o_ref):
    o_ref[...] = p_ref[0] + p_ref[1]


_sum_parts = pl.pallas_call(
    _sum_body,
    grid=(5,),
    in_specs=[pl.BlockSpec((2, 2000, NUM_FILTERS), lambda i: (0, i, 0))],
    out_specs=pl.BlockSpec((2000, NUM_FILTERS), lambda i: (i, 0)),
    out_shape=jax.ShapeDtypeStruct((N_NODES, NUM_FILTERS), jnp.float32),
)


def kernel(positions, input, edge_index, weights1, biases1, weights2, biases2):
    src = edge_index[0]
    dst = edge_index[1]
    px = positions[:, 0]
    py = positions[:, 1]
    pz = positions[:, 2]
    tab = _build_table(weights1, biases1.reshape(1, -1),
                       weights2, biases2.reshape(1, -1))
    tpk = tab[:T + 2].astype(jnp.bfloat16).view(jnp.int32).reshape(-1)
    eidx, efrac = _idx_kernel(src, dst, px, py, pz)
    parts = _edge_kernel(src, dst, eidx, efrac, tpk, input)
    return _sum_parts(parts)

# --- scband reference (transcript-rebuilt; emitter-appended) ---
"""Pipeline reference for scband-cfconv-16381005267613 (READ-ONLY COPY).

The authoritative reference and input builder live on the scoring server;
editing this copy changes nothing except your own understanding.
"""

import jax, jax.numpy as jnp
import numpy as np

N_NODES = 10000
N_EDGES = 320000
NUM_GAUSSIANS = 128
NUM_FILTERS = 128
CUTOFF = 5.0
GAUSSIAN_WIDTH = CUTOFF / (NUM_GAUSSIANS - 1)


def ssp(x):
    # shifted softplus: log(0.5*exp(x) + 0.5)
    return jnp.logaddexp(x, 0.0) - jnp.log(2.0)


def setup_inputs(seed: int = 0) -> dict:
    key = jax.random.key(seed)
    k = jax.random.split(key, 7)
    positions = 10.0 * jax.random.uniform(k[0], (N_NODES, 3), dtype=jnp.float32) - 5.0
    feat = jax.random.normal(k[1], (N_NODES, NUM_FILTERS), dtype=jnp.float32)
    edge_index = jax.random.randint(k[2], (2, N_EDGES), 0, N_NODES).astype(jnp.int32)
    weights1 = jax.random.normal(k[3], (NUM_GAUSSIANS, NUM_FILTERS), dtype=jnp.float32) / np.sqrt(NUM_GAUSSIANS)
    biases1 = jax.random.normal(k[4], (NUM_FILTERS,), dtype=jnp.float32) * 0.01
    weights2 = jax.random.normal(k[5], (NUM_FILTERS, NUM_FILTERS), dtype=jnp.float32) / np.sqrt(NUM_FILTERS)
    biases2 = jax.random.normal(k[6], (NUM_FILTERS,), dtype=jnp.float32) * 0.01
    return {
        'positions': positions,
        'input': feat,
        'edge_index': edge_index,
        'weights1': weights1,
        'biases1': biases1,
        'weights2': weights2,
        'biases2': biases2,
    }


def reference(positions, input, edge_index, weights1, biases1, weights2, biases2):
    src = edge_index[0]
    dst = edge_index[1]
    # per-edge interatomic distances (gather)
    delta = positions[src] - positions[dst]
    r = jnp.sqrt(jnp.sum(delta * delta, axis=1) + 1e-12)
    # Gaussian radial basis expansion
    centers = jnp.arange(NUM_GAUSSIANS, dtype=jnp.float32) * GAUSSIAN_WIDTH
    g = jnp.exp(-((r[:, None] - centers[None, :]) ** 2) / (2.0 * GAUSSIAN_WIDTH * GAUSSIAN_WIDTH))
    # filter-generating network: two dense layers with shifted softplus
    y = ssp(g @ weights1 + biases1)
    w = ssp(y @ weights2 + biases2)
    # cosine cutoff function
    cut = jnp.where(r < CUTOFF, 0.5 * jnp.cos(jnp.pi * r / CUTOFF) + 0.5, 0.0)
    filt = w * cut[:, None]
    # continuous-filter convolution: gather source features, modulate, scatter-add to dst
    msg = input[src] * filt
    out = jnp.zeros((N_NODES, NUM_FILTERS), dtype=input.dtype).at[dst].add(msg)
    return out

if __name__ == "__main__":
    import jax
    _d = setup_inputs()
    print(jax.jit(kernel)(*tuple(_d.values())))

</pallas_src>

<mosaic_0001>
#map = affine_map<(d0, d1) -> (0)>
module attributes {stable_mosaic.version = 14 : i64} {
  func.func @_idx_body(%arg0: i32, %arg1: i32, %arg2: memref<320000xi32, #tpu.memory_space<hbm>>, %arg3: memref<320000xi32, #tpu.memory_space<hbm>>, %arg4: memref<10000xf32, #tpu.memory_space<hbm>>, %arg5: memref<10000xf32, #tpu.memory_space<hbm>>, %arg6: memref<10000xf32, #tpu.memory_space<hbm>>, %arg7: memref<320000xi32, #tpu.memory_space<hbm>>, %arg8: memref<320000xf32, #tpu.memory_space<hbm>>, %arg9: memref<10000xf32, #tpu.memory_space<vmem>>, %arg10: memref<10000xf32, #tpu.memory_space<vmem>>, %arg11: memref<10000xf32, #tpu.memory_space<vmem>>, %arg12: memref<64xi32, #tpu.memory_space<vmem>>, %arg13: memref<64xi32, #tpu.memory_space<vmem>>, %arg14: memref<64xi32, #tpu.memory_space<vmem>>, %arg15: memref<64xf32, #tpu.memory_space<vmem>>) attributes {dimension_semantics = [#tpu.dimension_semantics<core_parallel>, #tpu.dimension_semantics<subcore_parallel>], iteration_bounds = array<i64: 2, 16>, scalar_prefetch = 0 : i64, scratch_operands = 7 : i64, tpu.core_type = #tpu.core_type<sc_vector_subcore>, window_params = [{transform_indices = #map}, {transform_indices = #map}, {transform_indices = #map}, {transform_indices = #map}, {transform_indices = #map}, {transform_indices = #map}, {transform_indices = #map}]} {
    %mul3A = arith.constant 16 : i32
    %mul3A_0 = arith.muli %arg0, %mul3A : i32
    %add3A = arith.addi %mul3A_0, %arg1 : i32
    "tpu.region"() ({
      %run_scoped3A = tpu.sem_alloc : memref<!tpu.dma_semaphore, #tpu.memory_space<semaphore_mem>>
      tpu.enqueue_dma source(%arg4 : memref<10000xf32, #tpu.memory_space<hbm>>) target(%arg9 : memref<10000xf32, #tpu.memory_space<vmem>>) target_semaphore(%run_scoped3A : memref<!tpu.dma_semaphore, #tpu.memory_space<semaphore_mem>>)
      tpu.wait_dma2 semaphore(%run_scoped3A : memref<!tpu.dma_semaphore, #tpu.memory_space<semaphore_mem>>) src(%arg4 : memref<10000xf32, #tpu.memory_space<hbm>>) dst(%arg9 : memref<10000xf32, #tpu.memory_space<vmem>>)
      tpu.yield
    }) : () -> ()
    "tpu.region"() ({
      %run_scoped3A = tpu.sem_alloc : memref<!tpu.dma_semaphore, #tpu.memory_space<semaphore_mem>>
      tpu.enqueue_dma source(%arg5 : memref<10000xf32, #tpu.memory_space<hbm>>) target(%arg10 : memref<10000xf32, #tpu.memory_space<vmem>>) target_semaphore(%run_scoped3A : memref<!tpu.dma_semaphore, #tpu.memory_space<semaphore_mem>>)
      tpu.wait_dma2 semaphore(%run_scoped3A : memref<!tpu.dma_semaphore, #tpu.memory_space<semaphore_mem>>) src(%arg5 : memref<10000xf32, #tpu.memory_space<hbm>>) dst(%arg10 : memref<10000xf32, #tpu.memory_space<vmem>>)
      tpu.yield
    }) : () -> ()
    "tpu.region"() ({
      %run_scoped3A = tpu.sem_alloc : memref<!tpu.dma_semaphore, #tpu.memory_space<semaphore_mem>>
      tpu.enqueue_dma source(%arg6 : memref<10000xf32, #tpu.memory_space<hbm>>) target(%arg11 : memref<10000xf32, #tpu.memory_space<vmem>>) target_semaphore(%run_scoped3A : memref<!tpu.dma_semaphore, #tpu.memory_space<semaphore_mem>>)
      tpu.wait_dma2 semaphore(%run_scoped3A : memref<!tpu.dma_semaphore, #tpu.memory_space<semaphore_mem>>) src(%arg6 : memref<10000xf32, #tpu.memory_space<hbm>>) dst(%arg11 : memref<10000xf32, #tpu.memory_space<vmem>>)
      tpu.yield
    }) : () -> ()
    %scan3A = arith.constant 0 : i32
    %scan3A_1 = arith.constant 157 : i32
    %scan3A_2 = arith.addi %scan3A, %scan3A_1 : i32
    %scan3A_3 = arith.constant 1 : i32
    scf.for %scan3A_5 = %scan3A to %scan3A_2 step %scan3A_3  : i32 {
      %mul3A_6 = arith.constant 1 : i32
      %mul3A_7 = arith.muli %scan3A_5, %mul3A_6 : i32
      %add3A_8 = arith.constant 0 : i32
      %add3A_9 = arith.addi %add3A_8, %mul3A_7 : i32
      %mul3A_10 = arith.constant 32 : i32
      %mul3A_11 = arith.muli %add3A_9, %mul3A_10 : i32
      %add3A_12 = arith.addi %mul3A_11, %add3A : i32
      %lt3A = arith.constant 5000 : i32
      %lt3A_13 = arith.cmpi slt, %add3A_12, %lt3A : i32
      %convert_element_type3A = arith.extui %lt3A_13 : i1 to i32
      %cond3A = arith.constant 0 : i32
      %cond3A_14 = arith.cmpi ne, %convert_element_type3A, %cond3A : i32
      scf.if %cond3A_14 {
        %mul3A_15 = arith.constant 64 : i32
        %mul3A_16 = arith.muli %add3A_12, %mul3A_15 : i32
        "tpu.region"() ({
          %run_scoped3A = tpu.sem_alloc : memref<!tpu.dma_semaphore, #tpu.memory_space<semaphore_mem>>
          %dma_start3A = tpu.memref_slice %arg2[%mul3A_16] : memref<320000xi32, #tpu.memory_space<hbm>> -> memref<64xi32, #tpu.memory_space<hbm>>
          %dma_start3A_254 = tpu.memref_slice %arg2[%mul3A_16] : memref<320000xi32, #tpu.memory_space<hbm>> -> memref<64xi32, #tpu.memory_space<hbm>>
          tpu.enqueue_dma source(%dma_start3A_254 : memref<64xi32, #tpu.memory_space<hbm>>) target(%arg12 : memref<64xi32, #tpu.memory_space<vmem>>) target_semaphore(%run_scoped3A : memref<!tpu.dma_semaphore, #tpu.memory_space<semaphore_mem>>)
          %dma_wait3A = tpu.memref_slice %arg2[%mul3A_16] : memref<320000xi32, #tpu.memory_space<hbm>> -> memref<64xi32, #tpu.memory_space<hbm>>
          %dma_wait3A_255 = tpu.memref_slice %arg2[%mul3A_16] : memref<320000xi32, #tpu.memory_space<hbm>> -> memref<64xi32, #tpu.memory_space<hbm>>
          tpu.wait_dma2 semaphore(%run_scoped3A : memref<!tpu.dma_semaphore, #tpu.memory_space<semaphore_mem>>) src(%dma_wait3A_255 : memref<64xi32, #tpu.memory_space<hbm>>) dst(%arg12 : memref<64xi32, #tpu.memory_space<vmem>>)
          tpu.yield
        }) : () -> ()
        "tpu.region"() ({
          %run_scoped3A = tpu.sem_alloc : memref<!tpu.dma_semaphore, #tpu.memory_space<semaphore_mem>>
          %dma_start3A = tpu.memref_slice %arg3[%mul3A_16] : memref<320000xi32, #tpu.memory_space<hbm>> -> memref<64xi32, #tpu.memory_space<hbm>>
          %dma_start3A_254 = tpu.memref_slice %arg3[%mul3A_16] : memref<320000xi32, #tpu.memory_space<hbm>> -> memref<64xi32, #tpu.memory_space<hbm>>
          tpu.enqueue_dma source(%dma_start3A_254 : memref<64xi32, #tpu.memory_space<hbm>>) target(%arg13 : memref<64xi32, #tpu.memory_space<vmem>>) target_semaphore(%run_scoped3A : memref<!tpu.dma_semaphore, #tpu.memory_space<semaphore_mem>>)
          %dma_wait3A = tpu.memref_slice %arg3[%mul3A_16] : memref<320000xi32, #tpu.memory_space<hbm>> -> memref<64xi32, #tpu.memory_space<hbm>>
          %dma_wait3A_255 = tpu.memref_slice %arg3[%mul3A_16] : memref<320000xi32, #tpu.memory_space<hbm>> -> memref<64xi32, #tpu.memory_space<hbm>>
          tpu.wait_dma2 semaphore(%run_scoped3A : memref<!tpu.dma_semaphore, #tpu.memory_space<semaphore_mem>>) src(%dma_wait3A_255 : memref<64xi32, #tpu.memory_space<hbm>>) dst(%arg13 : memref<64xi32, #tpu.memory_space<vmem>>)
          tpu.yield
        }) : () -> ()
        %get3A = arith.constant 0 : index
        %get3A_17 = tpu.vector_load %arg12[%get3A] {strides = array<i32>} : memref<64xi32, #tpu.memory_space<vmem>>, vector<16xi32>,
        %get3A_18 = arith.constant 0 : index
        %get3A_19 = tpu.vector_load %arg13[%get3A_18] {strides = array<i32>} : memref<64xi32, #tpu.memory_space<vmem>>, vector<16xi32>,
        %gather3A = tpu.vector_load_idx %arg9[%get3A_17] : memref<10000xf32, #tpu.memory_space<vmem>>[vector<16xi32>], vector<16xf32>,
        %gather3A_20 = tpu.vector_load_idx %arg9[%get3A_19] : memref<10000xf32, #tpu.memory_space<vmem>>[vector<16xi32>], vector<16xf32>,
        %sub3A = arith.subf %gather3A, %gather3A_20 : vector<16xf32>
        %gather3A_21 = tpu.vector_load_idx %arg10[%get3A_17] : memref<10000xf32, #tpu.memory_space<vmem>>[vector<16xi32>], vector<16xf32>,
        %gather3A_22 = tpu.vector_load_idx %arg10[%get3A_19] : memref<10000xf32, #tpu.memory_space<vmem>>[vector<16xi32>], vector<16xf32>,
        %sub3A_23 = arith.subf %gather3A_21, %gather3A_22 : vector<16xf32>
        %gather3A_24 = tpu.vector_load_idx %arg11[%get3A_17] : memref<10000xf32, #tpu.memory_space<vmem>>[vector<16xi32>], vector<16xf32>,
        %gather3A_25 = tpu.vector_load_idx %arg11[%get3A_19] : memref<10000xf32, #tpu.memory_space<vmem>>[vector<16xi32>], vector<16xf32>,
        %sub3A_26 = arith.subf %gather3A_24, %gather3A_25 : vector<16xf32>
        %mul3A_27 = arith.mulf %sub3A, %sub3A : vector<16xf32>
        %mul3A_28 = arith.mulf %sub3A_23, %sub3A_23 : vector<16xf32>
        %add3A_29 = arith.addf %mul3A_27, %mul3A_28 : vector<16xf32>
        %mul3A_30 = arith.mulf %sub3A_26, %sub3A_26 : vector<16xf32>
        %add3A_31 = arith.addf %add3A_29, %mul3A_30 : vector<16xf32>
        %add3A_32 = arith.constant 9.99999996E-13 : f32
        %add3A_33 = vector.broadcast %add3A_32 : f32 to vector<16xf32>
        %add3A_34 = arith.addf %add3A_31, %add3A_33 : vector<16xf32>
        %bitcast3A = vector.bitcast %add3A_34 : vector<16xf32> to vector<16xi32>
        %shift_right_arithmetic3A = arith.constant 1 : i32
        %shift_right_arithmetic3A_35 = vector.broadcast %shift_right_arithmetic3A : i32 to vector<16xi32>
        %shift_right_arithmetic3A_36 = arith.shrsi %bitcast3A, %shift_right_arithmetic3A_35 : vector<16xi32>
        %sub3A_37 = arith.constant 1597463007 : i32
        %sub3A_38 = vector.broadcast %sub3A_37 : i32 to vector<16xi32>
        %sub3A_39 = arith.subi %sub3A_38, %shift_right_arithmetic3A_36 : vector<16xi32>
        %bitcast3A_40 = vector.bitcast %sub3A_39 : vector<16xi32> to vector<16xf32>
        %mul3A_41 = arith.constant 5.000000e-01 : f32
        %mul3A_42 = vector.broadcast %mul3A_41 : f32 to vector<16xf32>
        %mul3A_43 = arith.mulf %mul3A_42, %add3A_34 : vector<16xf32>
        %mul3A_44 = arith.mulf %mul3A_43, %bitcast3A_40 : vector<16xf32>
        %mul3A_45 = arith.mulf %mul3A_44, %bitcast3A_40 : vector<16xf32>
        %sub3A_46 = arith.constant 1.500000e+00 : f32
        %sub3A_47 = vector.broadcast %sub3A_46 : f32 to vector<16xf32>
        %sub3A_48 = arith.subf %sub3A_47, %mul3A_45 : vector<16xf32>
        %mul3A_49 = arith.mulf %bitcast3A_40, %sub3A_48 : vector<16xf32>
        %mul3A_50 = arith.constant 5.000000e-01 : f32
        %mul3A_51 = vector.broadcast %mul3A_50 : f32 to vector<16xf32>
        %mul3A_52 = arith.mulf %mul3A_51, %add3A_34 : vector<16xf32>
        %mul3A_53 = arith.mulf %mul3A_52, %mul3A_49 : vector<16xf32>
        %mul3A_54 = arith.mulf %mul3A_53, %mul3A_49 : vector<16xf32>
        %sub3A_55 = arith.constant 1.500000e+00 : f32
        %sub3A_56 = vector.broadcast %sub3A_55 : f32 to vector<16xf32>
        %sub3A_57 = arith.subf %sub3A_56, %mul3A_54 : vector<16xf32>
        %mul3A_58 = arith.mulf %mul3A_49, %sub3A_57 : vector<16xf32>
        %mul3A_59 = arith.mulf %add3A_34, %mul3A_58 : vector<16xf32>
        %mul3A_60 = arith.constant 1.024000e+02 : f32
        %mul3A_61 = vector.broadcast %mul3A_60 : f32 to vector<16xf32>
        %mul3A_62 = arith.mulf %mul3A_59, %mul3A_61 : vector<16xf32>
        %convert_element_type3A_63 = arith.fptosi %mul3A_62 : vector<16xf32> to vector<16xi32>
        %min3A = arith.constant 512 : i32
        %min3A_64 = vector.broadcast %min3A : i32 to vector<16xi32>
        %min3A_65 = arith.minsi %convert_element_type3A_63, %min3A_64 : vector<16xi32>
        %swap3A = arith.constant 0 : index
        %swap3A_66 = tpu.vector_load %arg14[%swap3A] {strides = array<i32>} : memref<64xi32, #tpu.memory_space<vmem>>, vector<16xi32>,
        tpu.vector_store %arg14[%swap3A], %min3A_65 {strides = array<i32>} : memref<64xi32, #tpu.memory_space<vmem>>, vector<16xi32>,
        %convert_element_type3A_67 = arith.sitofp %min3A_65 : vector<16xi32> to vector<16xf32>
        %sub3A_68 = arith.subf %mul3A_62, %convert_element_type3A_67 : vector<16xf32>
        %swap3A_69 = arith.constant 0 : index
        %swap3A_70 = tpu.vector_load %arg15[%swap3A_69] {strides = array<i32>} : memref<64xf32, #tpu.memory_space<vmem>>, vector<16xf32>,
        tpu.vector_store %arg15[%swap3A_69], %sub3A_68 {strides = array<i32>} : memref<64xf32, #tpu.memory_space<vmem>>, vector<16xf32>,
        %get3A_71 = arith.constant 16 : index
        %get3A_72 = tpu.vector_load %arg12[%get3A_71] {strides = array<i32>} : memref<64xi32, #tpu.memory_space<vmem>>, vector<16xi32>,
        %get3A_73 = arith.constant 16 : index
        %get3A_74 = tpu.vector_load %arg13[%get3A_73] {strides = array<i32>} : memref<64xi32, #tpu.memory_space<vmem>>, vector<16xi32>,
        %gather3A_75 = tpu.vector_load_idx %arg9[%get3A_72] : memref<10000xf32, #tpu.memory_space<vmem>>[vector<16xi32>], vector<16xf32>,
        %gather3A_76 = tpu.vector_load_idx %arg9[%get3A_74] : memref<10000xf32, #tpu.memory_space<vmem>>[vector<16xi32>], vector<16xf32>,
        %sub3A_77 = arith.subf %gather3A_75, %gather3A_76 : vector<16xf32>
        %gather3A_78 = tpu.vector_load_idx %arg10[%get3A_72] : memref<10000xf32, #tpu.memory_space<vmem>>[vector<16xi32>], vector<16xf32>,
        %gather3A_79 = tpu.vector_load_idx %arg10[%get3A_74] : memref<10000xf32, #tpu.memory_space<vmem>>[vector<16xi32>], vector<16xf32>,
        %sub3A_80 = arith.subf %gather3A_78, %gather3A_79 : vector<16xf32>
        %gather3A_81 = tpu.vector_load_idx %arg11[%get3A_72] : memref<10000xf32, #tpu.memory_space<vmem>>[vector<16xi32>], vector<16xf32>,
        %gather3A_82 = tpu.vector_load_idx %arg11[%get3A_74] : memref<10000xf32, #tpu.memory_space<vmem>>[vector<16xi32>], vector<16xf32>,
        %sub3A_83 = arith.subf %gather3A_81, %gather3A_82 : vector<16xf32>
        %mul3A_84 = arith.mulf %sub3A_77, %sub3A_77 : vector<16xf32>
        %mul3A_85 = arith.mulf %sub3A_80, %sub3A_80 : vector<16xf32>
        %add3A_86 = arith.addf %mul3A_84, %mul3A_85 : vector<16xf32>
        %mul3A_87 = arith.mulf %sub3A_83, %sub3A_83 : vector<16xf32>
        %add3A_88 = arith.addf %add3A_86, %mul3A_87 : vector<16xf32>
        %add3A_89 = arith.constant 9.99999996E-13 : f32
        %add3A_90 = vector.broadcast %add3A_89 : f32 to vector<16xf32>
        %add3A_91 = arith.addf %add3A_88, %add3A_90 : vector<16xf32>
        %bitcast3A_92 = vector.bitcast %add3A_91 : vector<16xf32> to vector<16xi32>
        %shift_right_arithmetic3A_93 = arith.constant 1 : i32
        %shift_right_arithmetic3A_94 = vector.broadcast %shift_right_arithmetic3A_93 : i32 to vector<16xi32>
        %shift_right_arithmetic3A_95 = arith.shrsi %bitcast3A_92, %shift_right_arithmetic3A_94 : vector<16xi32>
        %sub3A_96 = arith.constant 1597463007 : i32
        %sub3A_97 = vector.broadcast %sub3A_96 : i32 to vector<16xi32>
        %sub3A_98 = arith.subi %sub3A_97, %shift_right_arithmetic3A_95 : vector<16xi32>
        %bitcast3A_99 = vector.bitcast %sub3A_98 : vector<16xi32> to vector<16xf32>
        %mul3A_100 = arith.constant 5.000000e-01 : f32
        %mul3A_101 = vector.broadcast %mul3A_100 : f32 to vector<16xf32>
        %mul3A_102 = arith.mulf %mul3A_101, %add3A_91 : vector<16xf32>
        %mul3A_103 = arith.mulf %mul3A_102, %bitcast3A_99 : vector<16xf32>
        %mul3A_104 = arith.mulf %mul3A_103, %bitcast3A_99 : vector<16xf32>
        %sub3A_105 = arith.constant 1.500000e+00 : f32
        %sub3A_106 = vector.broadcast %sub3A_105 : f32 to vector<16xf32>
        %sub3A_107 = arith.subf %sub3A_106, %mul3A_104 : vector<16xf32>
        %mul3A_108 = arith.mulf %bitcast3A_99, %sub3A_107 : vector<16xf32>
        %mul3A_109 = arith.constant 5.000000e-01 : f32
        %mul3A_110 = vector.broadcast %mul3A_109 : f32 to vector<16xf32>
        %mul3A_111 = arith.mulf %mul3A_110, %add3A_91 : vector<16xf32>
        %mul3A_112 = arith.mulf %mul3A_111, %mul3A_108 : vector<16xf32>
        %mul3A_113 = arith.mulf %mul3A_112, %mul3A_108 : vector<16xf32>
        %sub3A_114 = arith.constant 1.500000e+00 : f32
        %sub3A_115 = vector.broadcast %sub3A_114 : f32 to vector<16xf32>
        %sub3A_116 = arith.subf %sub3A_115, %mul3A_113 : vector<16xf32>
        %mul3A_117 = arith.mulf %mul3A_108, %sub3A_116 : vector<16xf32>
        %mul3A_118 = arith.mulf %add3A_91, %mul3A_117 : vector<16xf32>
        %mul3A_119 = arith.constant 1.024000e+02 : f32
        %mul3A_120 = vector.broadcast %mul3A_119 : f32 to vector<16xf32>
        %mul3A_121 = arith.mulf %mul3A_118, %mul3A_120 : vector<16xf32>
        %convert_element_type3A_122 = arith.fptosi %mul3A_121 : vector<16xf32> to vector<16xi32>
        %min3A_123 = arith.constant 512 : i32
        %min3A_124 = vector.broadcast %min3A_123 : i32 to vector<16xi32>
        %min3A_125 = arith.minsi %convert_element_type3A_122, %min3A_124 : vector<16xi32>
        %swap3A_126 = arith.constant 16 : index
        %swap3A_127 = tpu.vector_load %arg14[%swap3A_126] {strides = array<i32>} : memref<64xi32, #tpu.memory_space<vmem>>, vector<16xi32>,
        tpu.vector_store %arg14[%swap3A_126], %min3A_125 {strides = array<i32>} : memref<64xi32, #tpu.memory_space<vmem>>, vector<16xi32>,
        %convert_element_type3A_128 = arith.sitofp %min3A_125 : vector<16xi32> to vector<16xf32>
        %sub3A_129 = arith.subf %mul3A_121, %convert_element_type3A_128 : vector<16xf32>
        %swap3A_130 = arith.constant 16 : index
        %swap3A_131 = tpu.vector_load %arg15[%swap3A_130] {strides = array<i32>} : memref<64xf32, #tpu.memory_space<vmem>>, vector<16xf32>,
        tpu.vector_store %arg15[%swap3A_130], %sub3A_129 {strides = array<i32>} : memref<64xf32, #tpu.memory_space<vmem>>, vector<16xf32>,
        %get3A_132 = arith.constant 32 : index
        %get3A_133 = tpu.vector_load %arg12[%get3A_132] {strides = array<i32>} : memref<64xi32, #tpu.memory_space<vmem>>, vector<16xi32>,
        %get3A_134 = arith.constant 32 : index
        %get3A_135 = tpu.vector_load %arg13[%get3A_134] {strides = array<i32>} : memref<64xi32, #tpu.memory_space<vmem>>, vector<16xi32>,
        %gather3A_136 = tpu.vector_load_idx %arg9[%get3A_133] : memref<10000xf32, #tpu.memory_space<vmem>>[vector<16xi32>], vector<16xf32>,
        %gather3A_137 = tpu.vector_load_idx %arg9[%get3A_135] : memref<10000xf32, #tpu.memory_space<vmem>>[vector<16xi32>], vector<16xf32>,
        %sub3A_138 = arith.subf %gather3A_136, %gather3A_137 : vector<16xf32>
        %gather3A_139 = tpu.vector_load_idx %arg10[%get3A_133] : memref<10000xf32, #tpu.memory_space<vmem>>[vector<16xi32>], vector<16xf32>,
        %gather3A_140 = tpu.vector_load_idx %arg10[%get3A_135] : memref<10000xf32, #tpu.memory_space<vmem>>[vector<16xi32>], vector<16xf32>,
        %sub3A_141 = arith.subf %gather3A_139, %gather3A_140 : vector<16xf32>
        %gather3A_142 = tpu.vector_load_idx %arg11[%get3A_133] : memref<10000xf32, #tpu.memory_space<vmem>>[vector<16xi32>], vector<16xf32>,
        %gather3A_143 = tpu.vector_load_idx %arg11[%get3A_135] : memref<10000xf32, #tpu.memory_space<vmem>>[vector<16xi32>], vector<16xf32>,
        %sub3A_144 = arith.subf %gather3A_142, %gather3A_143 : vector<16xf32>
        %mul3A_145 = arith.mulf %sub3A_138, %sub3A_138 : vector<16xf32>
        %mul3A_146 = arith.mulf %sub3A_141, %sub3A_141 : vector<16xf32>
        %add3A_147 = arith.addf %mul3A_145, %mul3A_146 : vector<16xf32>
        %mul3A_148 = arith.mulf %sub3A_144, %sub3A_144 : vector<16xf32>
        %add3A_149 = arith.addf %add3A_147, %mul3A_148 : vector<16xf32>
        %add3A_150 = arith.constant 9.99999996E-13 : f32
        %add3A_151 = vector.broadcast %add3A_150 : f32 to vector<16xf32>
        %add3A_152 = arith.addf %add3A_149, %add3A_151 : vector<16xf32>
        %bitcast3A_153 = vector.bitcast %add3A_152 : vector<16xf32> to vector<16xi32>
        %shift_right_arithmetic3A_154 = arith.constant 1 : i32
        %shift_right_arithmetic3A_155 = vector.broadcast %shift_right_arithmetic3A_154 : i32 to vector<16xi32>
        %shift_right_arithmetic3A_156 = arith.shrsi %bitcast3A_153, %shift_right_arithmetic3A_155 : vector<16xi32>
        %sub3A_157 = arith.constant 1597463007 : i32
        %sub3A_158 = vector.broadcast %sub3A_157 : i32 to vector<16xi32>
        %sub3A_159 = arith.subi %sub3A_158, %shift_right_arithmetic3A_156 : vector<16xi32>
        %bitcast3A_160 = vector.bitcast %sub3A_159 : vector<16xi32> to vector<16xf32>
        %mul3A_161 = arith.constant 5.000000e-01 : f32
        %mul3A_162 = vector.broadcast %mul3A_161 : f32 to vector<16xf32>
        %mul3A_163 = arith.mulf %mul3A_162, %add3A_152 : vector<16xf32>
        %mul3A_164 = arith.mulf %mul3A_163, %bitcast3A_160 : vector<16xf32>
        %mul3A_165 = arith.mulf %mul3A_164, %bitcast3A_160 : vector<16xf32>
        %sub3A_166 = arith.constant 1.500000e+00 : f32
        %sub3A_167 = vector.broadcast %sub3A_166 : f32 to vector<16xf32>
        %sub3A_168 = arith.subf %sub3A_167, %mul3A_165 : vector<16xf32>
        %mul3A_169 = arith.mulf %bitcast3A_160, %sub3A_168 : vector<16xf32>
        %mul3A_170 = arith.constant 5.000000e-01 : f32
        %mul3A_171 = vector.broadcast %mul3A_170 : f32 to vector<16xf32>
        %mul3A_172 = arith.mulf %mul3A_171, %add3A_152 : vector<16xf32>
        %mul3A_173 = arith.mulf %mul3A_172, %mul3A_169 : vector<16xf32>
        %mul3A_174 = arith.mulf %mul3A_173, %mul3A_169 : vector<16xf32>
        %sub3A_175 = arith.constant 1.500000e+00 : f32
        %sub3A_176 = vector.broadcast %sub3A_175 : f32 to vector<16xf32>
        %sub3A_177 = arith.subf %sub3A_176, %mul3A_174 : vector<16xf32>
        %mul3A_178 = arith.mulf %mul3A_169, %sub3A_177 : vector<16xf32>
        %mul3A_179 = arith.mulf %add3A_152, %mul3A_178 : vector<16xf32>
        %mul3A_180 = arith.constant 1.024000e+02 : f32
        %mul3A_181 = vector.broadcast %mul3A_180 : f32 to vector<16xf32>
        %mul3A_182 = arith.mulf %mul3A_179, %mul3A_181 : vector<16xf32>
        %convert_element_type3A_183 = arith.fptosi %mul3A_182 : vector<16xf32> to vector<16xi32>
        %min3A_184 = arith.constant 512 : i32
        %min3A_185 = vector.broadcast %min3A_184 : i32 to vector<16xi32>
        %min3A_186 = arith.minsi %convert_element_type3A_183, %min3A_185 : vector<16xi32>
        %swap3A_187 = arith.constant 32 : index
        %swap3A_188 = tpu.vector_load %arg14[%swap3A_187] {strides = array<i32>} : memref<64xi32, #tpu.memory_space<vmem>>, vector<16xi32>,
        tpu.vector_store %arg14[%swap3A_187], %min3A_186 {strides = array<i32>} : memref<64xi32, #tpu.memory_space<vmem>>, vector<16xi32>,
        %convert_element_type3A_189 = arith.sitofp %min3A_186 : vector<16xi32> to vector<16xf32>
        %sub3A_190 = arith.subf %mul3A_182, %convert_element_type3A_189 : vector<16xf32>
        %swap3A_191 = arith.constant 32 : index
        %swap3A_192 = tpu.vector_load %arg15[%swap3A_191] {strides = array<i32>} : memref<64xf32, #tpu.memory_space<vmem>>, vector<16xf32>,
        tpu.vector_store %arg15[%swap3A_191], %sub3A_190 {strides = array<i32>} : memref<64xf32, #tpu.memory_space<vmem>>, vector<16xf32>,
        %get3A_193 = arith.constant 48 : index
        %get3A_194 = tpu.vector_load %arg12[%get3A_193] {strides = array<i32>} : memref<64xi32, #tpu.memory_space<vmem>>, vector<16xi32>,
        %get3A_195 = arith.constant 48 : index
        %get3A_196 = tpu.vector_load %arg13[%get3A_195] {strides = array<i32>} : memref<64xi32, #tpu.memory_space<vmem>>, vector<16xi32>,
        %gather3A_197 = tpu.vector_load_idx %arg9[%get3A_194] : memref<10000xf32, #tpu.memory_space<vmem>>[vector<16xi32>], vector<16xf32>,
        %gather3A_198 = tpu.vector_load_idx %arg9[%get3A_196] : memref<10000xf32, #tpu.memory_space<vmem>>[vector<16xi32>], vector<16xf32>,
        %sub3A_199 = arith.subf %gather3A_197, %gather3A_198 : vector<16xf32>
        %gather3A_200 = tpu.vector_load_idx %arg10[%get3A_194] : memref<10000xf32, #tpu.memory_space<vmem>>[vector<16xi32>], vector<16xf32>,
        %gather3A_201 = tpu.vector_load_idx %arg10[%get3A_196] : memref<10000xf32, #tpu.memory_space<vmem>>[vector<16xi32>], vector<16xf32>,
        %sub3A_202 = arith.subf %gather3A_200, %gather3A_201 : vector<16xf32>
        %gather3A_203 = tpu.vector_load_idx %arg11[%get3A_194] : memref<10000xf32, #tpu.memory_space<vmem>>[vector<16xi32>], vector<16xf32>,
        %gather3A_204 = tpu.vector_load_idx %arg11[%get3A_196] : memref<10000xf32, #tpu.memory_space<vmem>>[vector<16xi32>], vector<16xf32>,
        %sub3A_205 = arith.subf %gather3A_203, %gather3A_204 : vector<16xf32>
        %mul3A_206 = arith.mulf %sub3A_199, %sub3A_199 : vector<16xf32>
        %mul3A_207 = arith.mulf %sub3A_202, %sub3A_202 : vector<16xf32>
        %add3A_208 = arith.addf %mul3A_206, %mul3A_207 : vector<16xf32>
        %mul3A_209 = arith.mulf %sub3A_205, %sub3A_205 : vector<16xf32>
        %add3A_210 = arith.addf %add3A_208, %mul3A_209 : vector<16xf32>
        %add3A_211 = arith.constant 9.99999996E-13 : f32
        %add3A_212 = vector.broadcast %add3A_211 : f32 to vector<16xf32>
        %add3A_213 = arith.addf %add3A_210, %add3A_212 : vector<16xf32>
        %bitcast3A_214 = vector.bitcast %add3A_213 : vector<16xf32> to vector<16xi32>
        %shift_right_arithmetic3A_215 = arith.constant 1 : i32
        %shift_right_arithmetic3A_216 = vector.broadcast %shift_right_arithmetic3A_215 : i32 to vector<16xi32>
        %shift_right_arithmetic3A_217 = arith.shrsi %bitcast3A_214, %shift_right_arithmetic3A_216 : vector<16xi32>
        %sub3A_218 = arith.constant 1597463007 : i32
        %sub3A_219 = vector.broadcast %sub3A_218 : i32 to vector<16xi32>
        %sub3A_220 = arith.subi %sub3A_219, %shift_right_arithmetic3A_217 : vector<16xi32>
        %bitcast3A_221 = vector.bitcast %sub3A_220 : vector<16xi32> to vector<16xf32>
        %mul3A_222 = arith.constant 5.000000e-01 : f32
        %mul3A_223 = vector.broadcast %mul3A_222 : f32 to vector<16xf32>
        %mul3A_224 = arith.mulf %mul3A_223, %add3A_213 : vector<16xf32>
        %mul3A_225 = arith.mulf %mul3A_224, %bitcast3A_221 : vector<16xf32>
        %mul3A_226 = arith.mulf %mul3A_225, %bitcast3A_221 : vector<16xf32>
        %sub3A_227 = arith.constant 1.500000e+00 : f32
        %sub3A_228 = vector.broadcast %sub3A_227 : f32 to vector<16xf32>
        %sub3A_229 = arith.subf %sub3A_228, %mul3A_226 : vector<16xf32>
        %mul3A_230 = arith.mulf %bitcast3A_221, %sub3A_229 : vector<16xf32>
        %mul3A_231 = arith.constant 5.000000e-01 : f32
        %mul3A_232 = vector.broadcast %mul3A_231 : f32 to vector<16xf32>
        %mul3A_233 = arith.mulf %mul3A_232, %add3A_213 : vector<16xf32>
        %mul3A_234 = arith.mulf %mul3A_233, %mul3A_230 : vector<16xf32>
        %mul3A_235 = arith.mulf %mul3A_234, %mul3A_230 : vector<16xf32>
        %sub3A_236 = arith.constant 1.500000e+00 : f32
        %sub3A_237 = vector.broadcast %sub3A_236 : f32 to vector<16xf32>
        %sub3A_238 = arith.subf %sub3A_237, %mul3A_235 : vector<16xf32>
        %mul3A_239 = arith.mulf %mul3A_230, %sub3A_238 : vector<16xf32>
        %mul3A_240 = arith.mulf %add3A_213, %mul3A_239 : vector<16xf32>
        %mul3A_241 = arith.constant 1.024000e+02 : f32
        %mul3A_242 = vector.broadcast %mul3A_241 : f32 to vector<16xf32>
        %mul3A_243 = arith.mulf %mul3A_240, %mul3A_242 : vector<16xf32>
        %convert_element_type3A_244 = arith.fptosi %mul3A_243 : vector<16xf32> to vector<16xi32>
        %min3A_245 = arith.constant 512 : i32
        %min3A_246 = vector.broadcast %min3A_245 : i32 to vector<16xi32>
        %min3A_247 = arith.minsi %convert_element_type3A_244, %min3A_246 : vector<16xi32>
        %swap3A_248 = arith.constant 48 : index
        %swap3A_249 = tpu.vector_load %arg14[%swap3A_248] {strides = array<i32>} : memref<64xi32, #tpu.memory_space<vmem>>, vector<16xi32>,
        tpu.vector_store %arg14[%swap3A_248], %min3A_247 {strides = array<i32>} : memref<64xi32, #tpu.memory_space<vmem>>, vector<16xi32>,
        %convert_element_type3A_250 = arith.sitofp %min3A_247 : vector<16xi32> to vector<16xf32>
        %sub3A_251 = arith.subf %mul3A_243, %convert_element_type3A_250 : vector<16xf32>
        %swap3A_252 = arith.constant 48 : index
        %swap3A_253 = tpu.vector_load %arg15[%swap3A_252] {strides = array<i32>} : memref<64xf32, #tpu.memory_space<vmem>>, vector<16xf32>,
        tpu.vector_store %arg15[%swap3A_252], %sub3A_251 {strides = array<i32>} : memref<64xf32, #tpu.memory_space<vmem>>, vector<16xf32>,
        "tpu.region"() ({
          %run_scoped3A = tpu.sem_alloc : memref<!tpu.dma_semaphore, #tpu.memory_space<semaphore_mem>>
          %dma_start3A = tpu.memref_slice %arg7[%mul3A_16] : memref<320000xi32, #tpu.memory_space<hbm>> -> memref<64xi32, #tpu.memory_space<hbm>>
          %dma_start3A_254 = tpu.memref_slice %arg7[%mul3A_16] : memref<320000xi32, #tpu.memory_space<hbm>> -> memref<64xi32, #tpu.memory_space<hbm>>
          tpu.enqueue_dma source(%arg14 : memref<64xi32, #tpu.memory_space<vmem>>) target(%dma_start3A_254 : memref<64xi32, #tpu.memory_space<hbm>>) target_semaphore(%run_scoped3A : memref<!tpu.dma_semaphore, #tpu.memory_space<semaphore_mem>>)
          %dma_wait3A = tpu.memref_slice %arg7[%mul3A_16] : memref<320000xi32, #tpu.memory_space<hbm>> -> memref<64xi32, #tpu.memory_space<hbm>>
          %dma_wait3A_255 = tpu.memref_slice %arg7[%mul3A_16] : memref<320000xi32, #tpu.memory_space<hbm>> -> memref<64xi32, #tpu.memory_space<hbm>>
          tpu.wait_dma2 semaphore(%run_scoped3A : memref<!tpu.dma_semaphore, #tpu.memory_space<semaphore_mem>>) src(%arg14 : memref<64xi32, #tpu.memory_space<vmem>>) dst(%dma_wait3A_255 : memref<64xi32, #tpu.memory_space<hbm>>)
          tpu.yield
        }) : () -> ()
        "tpu.region"() ({
          %run_scoped3A = tpu.sem_alloc : memref<!tpu.dma_semaphore, #tpu.memory_space<semaphore_mem>>
          %dma_start3A = tpu.memref_slice %arg8[%mul3A_16] : memref<320000xf32, #tpu.memory_space<hbm>> -> memref<64xf32, #tpu.memory_space<hbm>>
          %dma_start3A_254 = tpu.memref_slice %arg8[%mul3A_16] : memref<320000xf32, #tpu.memory_space<hbm>> -> memref<64xf32, #tpu.memory_space<hbm>>
          tpu.enqueue_dma source(%arg15 : memref<64xf32, #tpu.memory_space<vmem>>) target(%dma_start3A_254 : memref<64xf32, #tpu.memory_space<hbm>>) target_semaphore(%run_scoped3A : memref<!tpu.dma_semaphore, #tpu.memory_space<semaphore_mem>>)
          %dma_wait3A = tpu.memref_slice %arg8[%mul3A_16] : memref<320000xf32, #tpu.memory_space<hbm>> -> memref<64xf32, #tpu.memory_space<hbm>>
          %dma_wait3A_255 = tpu.memref_slice %arg8[%mul3A_16] : memref<320000xf32, #tpu.memory_space<hbm>> -> memref<64xf32, #tpu.memory_space<hbm>>
          tpu.wait_dma2 semaphore(%run_scoped3A : memref<!tpu.dma_semaphore, #tpu.memory_space<semaphore_mem>>) src(%arg15 : memref<64xf32, #tpu.memory_space<vmem>>) dst(%dma_wait3A_255 : memref<64xf32, #tpu.memory_space<hbm>>)
          tpu.yield
        }) : () -> ()
      } else {
      }
    }
    %scan3A_4 = arith.constant 157 : i32
    return
  }
}

#map = affine_map<(d0, d1) -> (0)>
#map1 = affine_map<(d0, d1) -> (0, 0)>
#map2 = affine_map<(d0, d1) -> (0, 0, 0)>
module attributes {stable_mosaic.version = 14 : i64} {
  func.func @_edge_body(%arg0: i32, %arg1: i32, %arg2: memref<320000xi32, #tpu.memory_space<hbm>>, %arg3: memref<320000xi32, #tpu.memory_space<hbm>>, %arg4: memref<320000xi32, #tpu.memory_space<hbm>>, %arg5: memref<320000xf32, #tpu.memory_space<hbm>>, %arg6: memref<32896xi32, #tpu.memory_space<hbm>>, %arg7: memref<10000x128xf32, #tpu.memory_space<hbm>>, %arg8: memref<2x10000x128xf32, #tpu.memory_space<hbm>>, %arg9: memref<32896xi32, #tpu.memory_space<vmem>>, %arg10: memref<64xi32, #tpu.memory_space<vmem>>, %arg11: memref<64xi32, #tpu.memory_space<vmem>>, %arg12: memref<64xi32, #tpu.memory_space<vmem>>, %arg13: memref<64xf32, #tpu.memory_space<vmem>>, %arg14: memref<64x128xf32, #tpu.memory_space<vmem>>, %arg15: memref<10000x128xf32, #tpu.memory_space<vmem_shared>>, %arg16: memref<!tpu.dma_semaphore, #tpu.memory_space<semaphore_mem>>) attributes {dimension_semantics = [#tpu.dimension_semantics<core_parallel>, #tpu.dimension_semantics<subcore_parallel>], iteration_bounds = array<i64: 2, 16>, scalar_prefetch = 0 : i64, scratch_operands = 8 : i64, tpu.core_type = #tpu.core_type<sc_vector_subcore>, window_params = [{transform_indices = #map}, {transform_indices = #map}, {transform_indices = #map}, {transform_indices = #map}, {transform_indices = #map}, {transform_indices = #map1}, {transform_indices = #map2}]} {
    %mul3A = arith.constant 16 : i32
    %mul3A_0 = arith.muli %arg0, %mul3A : i32
    %add3A = arith.addi %mul3A_0, %arg1 : i32
    "tpu.region"() ({
      %run_scoped3A = tpu.sem_alloc : memref<!tpu.dma_semaphore, #tpu.memory_space<semaphore_mem>>
      tpu.enqueue_dma source(%arg6 : memref<32896xi32, #tpu.memory_space<hbm>>) target(%arg9 : memref<32896xi32, #tpu.memory_space<vmem>>) target_semaphore(%run_scoped3A : memref<!tpu.dma_semaphore, #tpu.memory_space<semaphore_mem>>)
      tpu.wait_dma2 semaphore(%run_scoped3A : memref<!tpu.dma_semaphore, #tpu.memory_space<semaphore_mem>>) src(%arg6 : memref<32896xi32, #tpu.memory_space<hbm>>) dst(%arg9 : memref<32896xi32, #tpu.memory_space<vmem>>)
      tpu.yield
    }) : () -> ()
    %scan3A = arith.constant 0 : i32
    %scan3A_1 = arith.constant 64 : i32
    %scan3A_2 = arith.addi %scan3A, %scan3A_1 : i32
    %scan3A_3 = arith.constant 1 : i32
    scf.for %scan3A_87 = %scan3A to %scan3A_2 step %scan3A_3  : i32 {
      %mul3A_88 = arith.constant 1 : i32
      %mul3A_89 = arith.muli %scan3A_87, %mul3A_88 : i32
      %add3A_90 = arith.constant 0 : i32
      %add3A_91 = arith.addi %add3A_90, %mul3A_89 : i32
      %broadcast_in_dim3A = arith.constant 0.000000e+00 : f32
      %broadcast_in_dim3A_92 = vector.broadcast %broadcast_in_dim3A : f32 to vector<16xf32>
      %swap3A = arith.index_cast %add3A_91 : i32 to index
      %swap3A_93 = arith.constant 0 : index
      %swap3A_94 = tpu.vector_load %arg14[%swap3A, %swap3A_93] {strides = array<i32>} : memref<64x128xf32, #tpu.memory_space<vmem>>, vector<16xf32>,
      tpu.vector_store %arg14[%swap3A, %swap3A_93], %broadcast_in_dim3A_92 {strides = array<i32>} : memref<64x128xf32, #tpu.memory_space<vmem>>, vector<16xf32>,
      %broadcast_in_dim3A_95 = arith.constant 0.000000e+00 : f32
      %broadcast_in_dim3A_96 = vector.broadcast %broadcast_in_dim3A_95 : f32 to vector<16xf32>
      %swap3A_97 = arith.index_cast %add3A_91 : i32 to index
      %swap3A_98 = arith.constant 16 : index
      %swap3A_99 = tpu.vector_load %arg14[%swap3A_97, %swap3A_98] {strides = array<i32>} : memref<64x128xf32, #tpu.memory_space<vmem>>, vector<16xf32>,
      tpu.vector_store %arg14[%swap3A_97, %swap3A_98], %broadcast_in_dim3A_96 {strides = array<i32>} : memref<64x128xf32, #tpu.memory_space<vmem>>, vector<16xf32>,
      %broadcast_in_dim3A_100 = arith.constant 0.000000e+00 : f32
      %broadcast_in_dim3A_101 = vector.broadcast %broadcast_in_dim3A_100 : f32 to vector<16xf32>
      %swap3A_102 = arith.index_cast %add3A_91 : i32 to index
      %swap3A_103 = arith.constant 32 : index
      %swap3A_104 = tpu.vector_load %arg14[%swap3A_102, %swap3A_103] {strides = array<i32>} : memref<64x128xf32, #tpu.memory_space<vmem>>, vector<16xf32>,
      tpu.vector_store %arg14[%swap3A_102, %swap3A_103], %broadcast_in_dim3A_101 {strides = array<i32>} : memref<64x128xf32, #tpu.memory_space<vmem>>, vector<16xf32>,
      %broadcast_in_dim3A_105 = arith.constant 0.000000e+00 : f32
      %broadcast_in_dim3A_106 = vector.broadcast %broadcast_in_dim3A_105 : f32 to vector<16xf32>
      %swap3A_107 = arith.index_cast %add3A_91 : i32 to index
      %swap3A_108 = arith.constant 48 : index
      %swap3A_109 = tpu.vector_load %arg14[%swap3A_107, %swap3A_108] {strides = array<i32>} : memref<64x128xf32, #tpu.memory_space<vmem>>, vector<16xf32>,
      tpu.vector_store %arg14[%swap3A_107, %swap3A_108], %broadcast_in_dim3A_106 {strides = array<i32>} : memref<64x128xf32, #tpu.memory_space<vmem>>, vector<16xf32>,
      %broadcast_in_dim3A_110 = arith.constant 0.000000e+00 : f32
      %broadcast_in_dim3A_111 = vector.broadcast %broadcast_in_dim3A_110 : f32 to vector<16xf32>
      %swap3A_112 = arith.index_cast %add3A_91 : i32 to index
      %swap3A_113 = arith.constant 64 : index
      %swap3A_114 = tpu.vector_load %arg14[%swap3A_112, %swap3A_113] {strides = array<i32>} : memref<64x128xf32, #tpu.memory_space<vmem>>, vector<16xf32>,
      tpu.vector_store %arg14[%swap3A_112, %swap3A_113], %broadcast_in_dim3A_111 {strides = array<i32>} : memref<64x128xf32, #tpu.memory_space<vmem>>, vector<16xf32>,
      %broadcast_in_dim3A_115 = arith.constant 0.000000e+00 : f32
      %broadcast_in_dim3A_116 = vector.broadcast %broadcast_in_dim3A_115 : f32 to vector<16xf32>
      %swap3A_117 = arith.index_cast %add3A_91 : i32 to index
      %swap3A_118 = arith.constant 80 : index
      %swap3A_119 = tpu.vector_load %arg14[%swap3A_117, %swap3A_118] {strides = array<i32>} : memref<64x128xf32, #tpu.memory_space<vmem>>, vector<16xf32>,
      tpu.vector_store %arg14[%swap3A_117, %swap3A_118], %broadcast_in_dim3A_116 {strides = array<i32>} : memref<64x128xf32, #tpu.memory_space<vmem>>, vector<16xf32>,
      %broadcast_in_dim3A_120 = arith.constant 0.000000e+00 : f32
      %broadcast_in_dim3A_121 = vector.broadcast %broadcast_in_dim3A_120 : f32 to vector<16xf32>
      %swap3A_122 = arith.index_cast %add3A_91 : i32 to index
      %swap3A_123 = arith.constant 96 : index
      %swap3A_124 = tpu.vector_load %arg14[%swap3A_122, %swap3A_123] {strides = array<i32>} : memref<64x128xf32, #tpu.memory_space<vmem>>, vector<16xf32>,
      tpu.vector_store %arg14[%swap3A_122, %swap3A_123], %broadcast_in_dim3A_121 {strides = array<i32>} : memref<64x128xf32, #tpu.memory_space<vmem>>, vector<16xf32>,
      %broadcast_in_dim3A_125 = arith.constant 0.000000e+00 : f32
      %broadcast_in_dim3A_126 = vector.broadcast %broadcast_in_dim3A_125 : f32 to vector<16xf32>
      %swap3A_127 = arith.index_cast %add3A_91 : i32 to index
      %swap3A_128 = arith.constant 112 : index
      %swap3A_129 = tpu.vector_load %arg14[%swap3A_127, %swap3A_128] {strides = array<i32>} : memref<64x128xf32, #tpu.memory_space<vmem>>, vector<16xf32>,
      tpu.vector_store %arg14[%swap3A_127, %swap3A_128], %broadcast_in_dim3A_126 {strides = array<i32>} : memref<64x128xf32, #tpu.memory_space<vmem>>, vector<16xf32>,
    }
    %scan3A_4 = arith.constant 64 : i32
    %add3A_5 = arith.constant 0 : i32
    %add3A_6 = arith.addi %arg1, %add3A_5 : i32
    %lt3A = arith.constant 156 : i32
    %lt3A_7 = arith.cmpi slt, %add3A_6, %lt3A : i32
    %convert_element_type3A = arith.extui %lt3A_7 : i1 to i32
    %cond3A = arith.constant 0 : i32
    %cond3A_8 = arith.cmpi ne, %convert_element_type3A, %cond3A : i32
    scf.if %cond3A_8 {
      %mul3A_87 = arith.constant 64 : i32
      %mul3A_88 = arith.muli %add3A_6, %mul3A_87 : i32
      "tpu.region"() ({
        %run_scoped3A = tpu.sem_alloc : memref<!tpu.dma_semaphore, #tpu.memory_space<semaphore_mem>>
        %dma_start3A = arith.constant 0 : i32
        %dma_start3A_89 = tpu.memref_slice %arg15[%mul3A_88, %dma_start3A] : memref<10000x128xf32, #tpu.memory_space<vmem_shared>> -> memref<64x128xf32, #tpu.memory_space<vmem_shared>>
        %dma_start3A_90 = arith.constant 0 : i32
        %dma_start3A_91 = tpu.memref_slice %arg15[%mul3A_88, %dma_start3A_90] : memref<10000x128xf32, #tpu.memory_space<vmem_shared>> -> memref<64x128xf32, #tpu.memory_space<vmem_shared>>
        tpu.enqueue_dma source(%arg14 : memref<64x128xf32, #tpu.memory_space<vmem>>) target(%dma_start3A_91 : memref<64x128xf32, #tpu.memory_space<vmem_shared>>) target_semaphore(%run_scoped3A : memref<!tpu.dma_semaphore, #tpu.memory_space<semaphore_mem>>)
        %dma_wait3A = arith.constant 0 : i32
        %dma_wait3A_92 = tpu.memref_slice %arg15[%mul3A_88, %dma_wait3A] : memref<10000x128xf32, #tpu.memory_space<vmem_shared>> -> memref<64x128xf32, #tpu.memory_space<vmem_shared>>
        %dma_wait3A_93 = arith.constant 0 : i32
        %dma_wait3A_94 = tpu.memref_slice %arg15[%mul3A_88, %dma_wait3A_93] : memref<10000x128xf32, #tpu.memory_space<vmem_shared>> -> memref<64x128xf32, #tpu.memory_space<vmem_shared>>
        tpu.wait_dma2 semaphore(%run_scoped3A : memref<!tpu.dma_semaphore, #tpu.memory_space<semaphore_mem>>) src(%arg14 : memref<64x128xf32, #tpu.memory_space<vmem>>) dst(%dma_wait3A_94 : memref<64x128xf32, #tpu.memory_space<vmem_shared>>)
        tpu.yield
      }) : () -> ()
    } else {
    }
    %add3A_9 = arith.constant 16 : i32
    %add3A_10 = arith.addi %arg1, %add3A_9 : i32
    %lt3A_11 = arith.constant 156 : i32
    %lt3A_12 = arith.cmpi slt, %add3A_10, %lt3A_11 : i32
    %convert_element_type3A_13 = arith.extui %lt3A_12 : i1 to i32
    %cond3A_14 = arith.constant 0 : i32
    %cond3A_15 = arith.cmpi ne, %convert_element_type3A_13, %cond3A_14 : i32
    scf.if %cond3A_15 {
      %mul3A_87 = arith.constant 64 : i32
      %mul3A_88 = arith.muli %add3A_10, %mul3A_87 : i32
      "tpu.region"() ({
        %run_scoped3A = tpu.sem_alloc : memref<!tpu.dma_semaphore, #tpu.memory_space<semaphore_mem>>
        %dma_start3A = arith.constant 0 : i32
        %dma_start3A_89 = tpu.memref_slice %arg15[%mul3A_88, %dma_start3A] : memref<10000x128xf32, #tpu.memory_space<vmem_shared>> -> memref<64x128xf32, #tpu.memory_space<vmem_shared>>
        %dma_start3A_90 = arith.constant 0 : i32
        %dma_start3A_91 = tpu.memref_slice %arg15[%mul3A_88, %dma_start3A_90] : memref<10000x128xf32, #tpu.memory_space<vmem_shared>> -> memref<64x128xf32, #tpu.memory_space<vmem_shared>>
        tpu.enqueue_dma source(%arg14 : memref<64x128xf32, #tpu.memory_space<vmem>>) target(%dma_start3A_91 : memref<64x128xf32, #tpu.memory_space<vmem_shared>>) target_semaphore(%run_scoped3A : memref<!tpu.dma_semaphore, #tpu.memory_space<semaphore_mem>>)
        %dma_wait3A = arith.constant 0 : i32
        %dma_wait3A_92 = tpu.memref_slice %arg15[%mul3A_88, %dma_wait3A] : memref<10000x128xf32, #tpu.memory_space<vmem_shared>> -> memref<64x128xf32, #tpu.memory_space<vmem_shared>>
        %dma_wait3A_93 = arith.constant 0 : i32
        %dma_wait3A_94 = tpu.memref_slice %arg15[%mul3A_88, %dma_wait3A_93] : memref<10000x128xf32, #tpu.memory_space<vmem_shared>> -> memref<64x128xf32, #tpu.memory_space<vmem_shared>>
        tpu.wait_dma2 semaphore(%run_scoped3A : memref<!tpu.dma_semaphore, #tpu.memory_space<semaphore_mem>>) src(%arg14 : memref<64x128xf32, #tpu.memory_space<vmem>>) dst(%dma_wait3A_94 : memref<64x128xf32, #tpu.memory_space<vmem_shared>>)
        tpu.yield
      }) : () -> ()
    } else {
    }
    %add3A_16 = arith.constant 32 : i32
    %add3A_17 = arith.addi %arg1, %add3A_16 : i32
    %lt3A_18 = arith.constant 156 : i32
    %lt3A_19 = arith.cmpi slt, %add3A_17, %lt3A_18 : i32
    %convert_element_type3A_20 = arith.extui %lt3A_19 : i1 to i32
    %cond3A_21 = arith.constant 0 : i32
    %cond3A_22 = arith.cmpi ne, %convert_element_type3A_20, %cond3A_21 : i32
    scf.if %cond3A_22 {
      %mul3A_87 = arith.constant 64 : i32
      %mul3A_88 = arith.muli %add3A_17, %mul3A_87 : i32
      "tpu.region"() ({
        %run_scoped3A = tpu.sem_alloc : memref<!tpu.dma_semaphore, #tpu.memory_space<semaphore_mem>>
        %dma_start3A = arith.constant 0 : i32
        %dma_start3A_89 = tpu.memref_slice %arg15[%mul3A_88, %dma_start3A] : memref<10000x128xf32, #tpu.memory_space<vmem_shared>> -> memref<64x128xf32, #tpu.memory_space<vmem_shared>>
        %dma_start3A_90 = arith.constant 0 : i32
        %dma_start3A_91 = tpu.memref_slice %arg15[%mul3A_88, %dma_start3A_90] : memref<10000x128xf32, #tpu.memory_space<vmem_shared>> -> memref<64x128xf32, #tpu.memory_space<vmem_shared>>
        tpu.enqueue_dma source(%arg14 : memref<64x128xf32, #tpu.memory_space<vmem>>) target(%dma_start3A_91 : memref<64x128xf32, #tpu.memory_space<vmem_shared>>) target_semaphore(%run_scoped3A : memref<!tpu.dma_semaphore, #tpu.memory_space<semaphore_mem>>)
        %dma_wait3A = arith.constant 0 : i32
        %dma_wait3A_92 = tpu.memref_slice %arg15[%mul3A_88, %dma_wait3A] : memref<10000x128xf32, #tpu.memory_space<vmem_shared>> -> memref<64x128xf32, #tpu.memory_space<vmem_shared>>
        %dma_wait3A_93 = arith.constant 0 : i32
        %dma_wait3A_94 = tpu.memref_slice %arg15[%mul3A_88, %dma_wait3A_93] : memref<10000x128xf32, #tpu.memory_space<vmem_shared>> -> memref<64x128xf32, #tpu.memory_space<vmem_shared>>
        tpu.wait_dma2 semaphore(%run_scoped3A : memref<!tpu.dma_semaphore, #tpu.memory_space<semaphore_mem>>) src(%arg14 : memref<64x128xf32, #tpu.memory_space<vmem>>) dst(%dma_wait3A_94 : memref<64x128xf32, #tpu.memory_space<vmem_shared>>)
        tpu.yield
      }) : () -> ()
    } else {
    }
    %add3A_23 = arith.constant 48 : i32
    %add3A_24 = arith.addi %arg1, %add3A_23 : i32
    %lt3A_25 = arith.constant 156 : i32
    %lt3A_26 = arith.cmpi slt, %add3A_24, %lt3A_25 : i32
    %convert_element_type3A_27 = arith.extui %lt3A_26 : i1 to i32
    %cond3A_28 = arith.constant 0 : i32
    %cond3A_29 = arith.cmpi ne, %convert_element_type3A_27, %cond3A_28 : i32
    scf.if %cond3A_29 {
      %mul3A_87 = arith.constant 64 : i32
      %mul3A_88 = arith.muli %add3A_24, %mul3A_87 : i32
      "tpu.region"() ({
        %run_scoped3A = tpu.sem_alloc : memref<!tpu.dma_semaphore, #tpu.memory_space<semaphore_mem>>
        %dma_start3A = arith.constant 0 : i32
        %dma_start3A_89 = tpu.memref_slice %arg15[%mul3A_88, %dma_start3A] : memref<10000x128xf32, #tpu.memory_space<vmem_shared>> -> memref<64x128xf32, #tpu.memory_space<vmem_shared>>
        %dma_start3A_90 = arith.constant 0 : i32
        %dma_start3A_91 = tpu.memref_slice %arg15[%mul3A_88, %dma_start3A_90] : memref<10000x128xf32, #tpu.memory_space<vmem_shared>> -> memref<64x128xf32, #tpu.memory_space<vmem_shared>>
        tpu.enqueue_dma source(%arg14 : memref<64x128xf32, #tpu.memory_space<vmem>>) target(%dma_start3A_91 : memref<64x128xf32, #tpu.memory_space<vmem_shared>>) target_semaphore(%run_scoped3A : memref<!tpu.dma_semaphore, #tpu.memory_space<semaphore_mem>>)
        %dma_wait3A = arith.constant 0 : i32
        %dma_wait3A_92 = tpu.memref_slice %arg15[%mul3A_88, %dma_wait3A] : memref<10000x128xf32, #tpu.memory_space<vmem_shared>> -> memref<64x128xf32, #tpu.memory_space<vmem_shared>>
        %dma_wait3A_93 = arith.constant 0 : i32
        %dma_wait3A_94 = tpu.memref_slice %arg15[%mul3A_88, %dma_wait3A_93] : memref<10000x128xf32, #tpu.memory_space<vmem_shared>> -> memref<64x128xf32, #tpu.memory_space<vmem_shared>>
        tpu.wait_dma2 semaphore(%run_scoped3A : memref<!tpu.dma_semaphore, #tpu.memory_space<semaphore_mem>>) src(%arg14 : memref<64x128xf32, #tpu.memory_space<vmem>>) dst(%dma_wait3A_94 : memref<64x128xf32, #tpu.memory_space<vmem_shared>>)
        tpu.yield
      }) : () -> ()
    } else {
    }
    %add3A_30 = arith.constant 64 : i32
    %add3A_31 = arith.addi %arg1, %add3A_30 : i32
    %lt3A_32 = arith.constant 156 : i32
    %lt3A_33 = arith.cmpi slt, %add3A_31, %lt3A_32 : i32
    %convert_element_type3A_34 = arith.extui %lt3A_33 : i1 to i32
    %cond3A_35 = arith.constant 0 : i32
    %cond3A_36 = arith.cmpi ne, %convert_element_type3A_34, %cond3A_35 : i32
    scf.if %cond3A_36 {
      %mul3A_87 = arith.constant 64 : i32
      %mul3A_88 = arith.muli %add3A_31, %mul3A_87 : i32
      "tpu.region"() ({
        %run_scoped3A = tpu.sem_alloc : memref<!tpu.dma_semaphore, #tpu.memory_space<semaphore_mem>>
        %dma_start3A = arith.constant 0 : i32
        %dma_start3A_89 = tpu.memref_slice %arg15[%mul3A_88, %dma_start3A] : memref<10000x128xf32, #tpu.memory_space<vmem_shared>> -> memref<64x128xf32, #tpu.memory_space<vmem_shared>>
        %dma_start3A_90 = arith.constant 0 : i32
        %dma_start3A_91 = tpu.memref_slice %arg15[%mul3A_88, %dma_start3A_90] : memref<10000x128xf32, #tpu.memory_space<vmem_shared>> -> memref<64x128xf32, #tpu.memory_space<vmem_shared>>
        tpu.enqueue_dma source(%arg14 : memref<64x128xf32, #tpu.memory_space<vmem>>) target(%dma_start3A_91 : memref<64x128xf32, #tpu.memory_space<vmem_shared>>) target_semaphore(%run_scoped3A : memref<!tpu.dma_semaphore, #tpu.memory_space<semaphore_mem>>)
        %dma_wait3A = arith.constant 0 : i32
        %dma_wait3A_92 = tpu.memref_slice %arg15[%mul3A_88, %dma_wait3A] : memref<10000x128xf32, #tpu.memory_space<vmem_shared>> -> memref<64x128xf32, #tpu.memory_space<vmem_shared>>
        %dma_wait3A_93 = arith.constant 0 : i32
        %dma_wait3A_94 = tpu.memref_slice %arg15[%mul3A_88, %dma_wait3A_93] : memref<10000x128xf32, #tpu.memory_space<vmem_shared>> -> memref<64x128xf32, #tpu.memory_space<vmem_shared>>
        tpu.wait_dma2 semaphore(%run_scoped3A : memref<!tpu.dma_semaphore, #tpu.memory_space<semaphore_mem>>) src(%arg14 : memref<64x128xf32, #tpu.memory_space<vmem>>) dst(%dma_wait3A_94 : memref<64x128xf32, #tpu.memory_space<vmem_shared>>)
        tpu.yield
      }) : () -> ()
    } else {
    }
    %add3A_37 = arith.constant 80 : i32
    %add3A_38 = arith.addi %arg1, %add3A_37 : i32
    %lt3A_39 = arith.constant 156 : i32
    %lt3A_40 = arith.cmpi slt, %add3A_38, %lt3A_39 : i32
    %convert_element_type3A_41 = arith.extui %lt3A_40 : i1 to i32
    %cond3A_42 = arith.constant 0 : i32
    %cond3A_43 = arith.cmpi ne, %convert_element_type3A_41, %cond3A_42 : i32
    scf.if %cond3A_43 {
      %mul3A_87 = arith.constant 64 : i32
      %mul3A_88 = arith.muli %add3A_38, %mul3A_87 : i32
      "tpu.region"() ({
        %run_scoped3A = tpu.sem_alloc : memref<!tpu.dma_semaphore, #tpu.memory_space<semaphore_mem>>
        %dma_start3A = arith.constant 0 : i32
        %dma_start3A_89 = tpu.memref_slice %arg15[%mul3A_88, %dma_start3A] : memref<10000x128xf32, #tpu.memory_space<vmem_shared>> -> memref<64x128xf32, #tpu.memory_space<vmem_shared>>
        %dma_start3A_90 = arith.constant 0 : i32
        %dma_start3A_91 = tpu.memref_slice %arg15[%mul3A_88, %dma_start3A_90] : memref<10000x128xf32, #tpu.memory_space<vmem_shared>> -> memref<64x128xf32, #tpu.memory_space<vmem_shared>>
        tpu.enqueue_dma source(%arg14 : memref<64x128xf32, #tpu.memory_space<vmem>>) target(%dma_start3A_91 : memref<64x128xf32, #tpu.memory_space<vmem_shared>>) target_semaphore(%run_scoped3A : memref<!tpu.dma_semaphore, #tpu.memory_space<semaphore_mem>>)
        %dma_wait3A = arith.constant 0 : i32
        %dma_wait3A_92 = tpu.memref_slice %arg15[%mul3A_88, %dma_wait3A] : memref<10000x128xf32, #tpu.memory_space<vmem_shared>> -> memref<64x128xf32, #tpu.memory_space<vmem_shared>>
        %dma_wait3A_93 = arith.constant 0 : i32
        %dma_wait3A_94 = tpu.memref_slice %arg15[%mul3A_88, %dma_wait3A_93] : memref<10000x128xf32, #tpu.memory_space<vmem_shared>> -> memref<64x128xf32, #tpu.memory_space<vmem_shared>>
        tpu.wait_dma2 semaphore(%run_scoped3A : memref<!tpu.dma_semaphore, #tpu.memory_space<semaphore_mem>>) src(%arg14 : memref<64x128xf32, #tpu.memory_space<vmem>>) dst(%dma_wait3A_94 : memref<64x128xf32, #tpu.memory_space<vmem_shared>>)
        tpu.yield
      }) : () -> ()
    } else {
    }
    %add3A_44 = arith.constant 96 : i32
    %add3A_45 = arith.addi %arg1, %add3A_44 : i32
    %lt3A_46 = arith.constant 156 : i32
    %lt3A_47 = arith.cmpi slt, %add3A_45, %lt3A_46 : i32
    %convert_element_type3A_48 = arith.extui %lt3A_47 : i1 to i32
    %cond3A_49 = arith.constant 0 : i32
    %cond3A_50 = arith.cmpi ne, %convert_element_type3A_48, %cond3A_49 : i32
    scf.if %cond3A_50 {
      %mul3A_87 = arith.constant 64 : i32
      %mul3A_88 = arith.muli %add3A_45, %mul3A_87 : i32
      "tpu.region"() ({
        %run_scoped3A = tpu.sem_alloc : memref<!tpu.dma_semaphore, #tpu.memory_space<semaphore_mem>>
        %dma_start3A = arith.constant 0 : i32
        %dma_start3A_89 = tpu.memref_slice %arg15[%mul3A_88, %dma_start3A] : memref<10000x128xf32, #tpu.memory_space<vmem_shared>> -> memref<64x128xf32, #tpu.memory_space<vmem_shared>>
        %dma_start3A_90 = arith.constant 0 : i32
        %dma_start3A_91 = tpu.memref_slice %arg15[%mul3A_88, %dma_start3A_90] : memref<10000x128xf32, #tpu.memory_space<vmem_shared>> -> memref<64x128xf32, #tpu.memory_space<vmem_shared>>
        tpu.enqueue_dma source(%arg14 : memref<64x128xf32, #tpu.memory_space<vmem>>) target(%dma_start3A_91 : memref<64x128xf32, #tpu.memory_space<vmem_shared>>) target_semaphore(%run_scoped3A : memref<!tpu.dma_semaphore, #tpu.memory_space<semaphore_mem>>)
        %dma_wait3A = arith.constant 0 : i32
        %dma_wait3A_92 = tpu.memref_slice %arg15[%mul3A_88, %dma_wait3A] : memref<10000x128xf32, #tpu.memory_space<vmem_shared>> -> memref<64x128xf32, #tpu.memory_space<vmem_shared>>
        %dma_wait3A_93 = arith.constant 0 : i32
        %dma_wait3A_94 = tpu.memref_slice %arg15[%mul3A_88, %dma_wait3A_93] : memref<10000x128xf32, #tpu.memory_space<vmem_shared>> -> memref<64x128xf32, #tpu.memory_space<vmem_shared>>
        tpu.wait_dma2 semaphore(%run_scoped3A : memref<!tpu.dma_semaphore, #tpu.memory_space<semaphore_mem>>) src(%arg14 : memref<64x128xf32, #tpu.memory_space<vmem>>) dst(%dma_wait3A_94 : memref<64x128xf32, #tpu.memory_space<vmem_shared>>)
        tpu.yield
      }) : () -> ()
    } else {
    }
    %add3A_51 = arith.constant 112 : i32
    %add3A_52 = arith.addi %arg1, %add3A_51 : i32
    %lt3A_53 = arith.constant 156 : i32
    %lt3A_54 = arith.cmpi slt, %add3A_52, %lt3A_53 : i32
    %convert_element_type3A_55 = arith.extui %lt3A_54 : i1 to i32
    %cond3A_56 = arith.constant 0 : i32
    %cond3A_57 = arith.cmpi ne, %convert_element_type3A_55, %cond3A_56 : i32
    scf.if %cond3A_57 {
      %mul3A_87 = arith.constant 64 : i32
      %mul3A_88 = arith.muli %add3A_52, %mul3A_87 : i32
      "tpu.region"() ({
        %run_scoped3A = tpu.sem_alloc : memref<!tpu.dma_semaphore, #tpu.memory_space<semaphore_mem>>
        %dma_start3A = arith.constant 0 : i32
        %dma_start3A_89 = tpu.memref_slice %arg15[%mul3A_88, %dma_start3A] : memref<10000x128xf32, #tpu.memory_space<vmem_shared>> -> memref<64x128xf32, #tpu.memory_space<vmem_shared>>
        %dma_start3A_90 = arith.constant 0 : i32
        %dma_start3A_91 = tpu.memref_slice %arg15[%mul3A_88, %dma_start3A_90] : memref<10000x128xf32, #tpu.memory_space<vmem_shared>> -> memref<64x128xf32, #tpu.memory_space<vmem_shared>>
        tpu.enqueue_dma source(%arg14 : memref<64x128xf32, #tpu.memory_space<vmem>>) target(%dma_start3A_91 : memref<64x128xf32, #tpu.memory_space<vmem_shared>>) target_semaphore(%run_scoped3A : memref<!tpu.dma_semaphore, #tpu.memory_space<semaphore_mem>>)
        %dma_wait3A = arith.constant 0 : i32
        %dma_wait3A_92 = tpu.memref_slice %arg15[%mul3A_88, %dma_wait3A] : memref<10000x128xf32, #tpu.memory_space<vmem_shared>> -> memref<64x128xf32, #tpu.memory_space<vmem_shared>>
        %dma_wait3A_93 = arith.constant 0 : i32
        %dma_wait3A_94 = tpu.memref_slice %arg15[%mul3A_88, %dma_wait3A_93] : memref<10000x128xf32, #tpu.memory_space<vmem_shared>> -> memref<64x128xf32, #tpu.memory_space<vmem_shared>>
        tpu.wait_dma2 semaphore(%run_scoped3A : memref<!tpu.dma_semaphore, #tpu.memory_space<semaphore_mem>>) src(%arg14 : memref<64x128xf32, #tpu.memory_space<vmem>>) dst(%dma_wait3A_94 : memref<64x128xf32, #tpu.memory_space<vmem_shared>>)
        tpu.yield
      }) : () -> ()
    } else {
    }
    %add3A_58 = arith.constant 128 : i32
    %add3A_59 = arith.addi %arg1, %add3A_58 : i32
    %lt3A_60 = arith.constant 156 : i32
    %lt3A_61 = arith.cmpi slt, %add3A_59, %lt3A_60 : i32
    %convert_element_type3A_62 = arith.extui %lt3A_61 : i1 to i32
    %cond3A_63 = arith.constant 0 : i32
    %cond3A_64 = arith.cmpi ne, %convert_element_type3A_62, %cond3A_63 : i32
    scf.if %cond3A_64 {
      %mul3A_87 = arith.constant 64 : i32
      %mul3A_88 = arith.muli %add3A_59, %mul3A_87 : i32
      "tpu.region"() ({
        %run_scoped3A = tpu.sem_alloc : memref<!tpu.dma_semaphore, #tpu.memory_space<semaphore_mem>>
        %dma_start3A = arith.constant 0 : i32
        %dma_start3A_89 = tpu.memref_slice %arg15[%mul3A_88, %dma_start3A] : memref<10000x128xf32, #tpu.memory_space<vmem_shared>> -> memref<64x128xf32, #tpu.memory_space<vmem_shared>>
        %dma_start3A_90 = arith.constant 0 : i32
        %dma_start3A_91 = tpu.memref_slice %arg15[%mul3A_88, %dma_start3A_90] : memref<10000x128xf32, #tpu.memory_space<vmem_shared>> -> memref<64x128xf32, #tpu.memory_space<vmem_shared>>
        tpu.enqueue_dma source(%arg14 : memref<64x128xf32, #tpu.memory_space<vmem>>) target(%dma_start3A_91 : memref<64x128xf32, #tpu.memory_space<vmem_shared>>) target_semaphore(%run_scoped3A : memref<!tpu.dma_semaphore, #tpu.memory_space<semaphore_mem>>)
        %dma_wait3A = arith.constant 0 : i32
        %dma_wait3A_92 = tpu.memref_slice %arg15[%mul3A_88, %dma_wait3A] : memref<10000x128xf32, #tpu.memory_space<vmem_shared>> -> memref<64x128xf32, #tpu.memory_space<vmem_shared>>
        %dma_wait3A_93 = arith.constant 0 : i32
        %dma_wait3A_94 = tpu.memref_slice %arg15[%mul3A_88, %dma_wait3A_93] : memref<10000x128xf32, #tpu.memory_space<vmem_shared>> -> memref<64x128xf32, #tpu.memory_space<vmem_shared>>
        tpu.wait_dma2 semaphore(%run_scoped3A : memref<!tpu.dma_semaphore, #tpu.memory_space<semaphore_mem>>) src(%arg14 : memref<64x128xf32, #tpu.memory_space<vmem>>) dst(%dma_wait3A_94 : memref<64x128xf32, #tpu.memory_space<vmem_shared>>)
        tpu.yield
      }) : () -> ()
    } else {
    }
    %add3A_65 = arith.constant 144 : i32
    %add3A_66 = arith.addi %arg1, %add3A_65 : i32
    %lt3A_67 = arith.constant 156 : i32
    %lt3A_68 = arith.cmpi slt, %add3A_66, %lt3A_67 : i32
    %convert_element_type3A_69 = arith.extui %lt3A_68 : i1 to i32
    %cond3A_70 = arith.constant 0 : i32
    %cond3A_71 = arith.cmpi ne, %convert_element_type3A_69, %cond3A_70 : i32
    scf.if %cond3A_71 {
      %mul3A_87 = arith.constant 64 : i32
      %mul3A_88 = arith.muli %add3A_66, %mul3A_87 : i32
      "tpu.region"() ({
        %run_scoped3A = tpu.sem_alloc : memref<!tpu.dma_semaphore, #tpu.memory_space<semaphore_mem>>
        %dma_start3A = arith.constant 0 : i32
        %dma_start3A_89 = tpu.memref_slice %arg15[%mul3A_88, %dma_start3A] : memref<10000x128xf32, #tpu.memory_space<vmem_shared>> -> memref<64x128xf32, #tpu.memory_space<vmem_shared>>
        %dma_start3A_90 = arith.constant 0 : i32
        %dma_start3A_91 = tpu.memref_slice %arg15[%mul3A_88, %dma_start3A_90] : memref<10000x128xf32, #tpu.memory_space<vmem_shared>> -> memref<64x128xf32, #tpu.memory_space<vmem_shared>>
        tpu.enqueue_dma source(%arg14 : memref<64x128xf32, #tpu.memory_space<vmem>>) target(%dma_start3A_91 : memref<64x128xf32, #tpu.memory_space<vmem_shared>>) target_semaphore(%run_scoped3A : memref<!tpu.dma_semaphore, #tpu.memory_space<semaphore_mem>>)
        %dma_wait3A = arith.constant 0 : i32
        %dma_wait3A_92 = tpu.memref_slice %arg15[%mul3A_88, %dma_wait3A] : memref<10000x128xf32, #tpu.memory_space<vmem_shared>> -> memref<64x128xf32, #tpu.memory_space<vmem_shared>>
        %dma_wait3A_93 = arith.constant 0 : i32
        %dma_wait3A_94 = tpu.memref_slice %arg15[%mul3A_88, %dma_wait3A_93] : memref<10000x128xf32, #tpu.memory_space<vmem_shared>> -> memref<64x128xf32, #tpu.memory_space<vmem_shared>>
        tpu.wait_dma2 semaphore(%run_scoped3A : memref<!tpu.dma_semaphore, #tpu.memory_space<semaphore_mem>>) src(%arg14 : memref<64x128xf32, #tpu.memory_space<vmem>>) dst(%dma_wait3A_94 : memref<64x128xf32, #tpu.memory_space<vmem_shared>>)
        tpu.yield
      }) : () -> ()
    } else {
    }
    %eq3A = arith.constant 0 : i32
    %eq3A_72 = arith.cmpi eq, %arg1, %eq3A : i32
    %convert_element_type3A_73 = arith.extui %eq3A_72 : i1 to i32
    %cond3A_74 = arith.constant 0 : i32
    %cond3A_75 = arith.cmpi ne, %convert_element_type3A_73, %cond3A_74 : i32
    scf.if %cond3A_75 {
      "tpu.region"() ({
        %run_scoped3A = tpu.sem_alloc : memref<!tpu.dma_semaphore, #tpu.memory_space<semaphore_mem>>
        %dma_start3A = arith.constant 0 : i32
        %dma_start3A_87 = arith.constant 0 : i32
        %dma_start3A_88 = tpu.memref_slice %arg14[%dma_start3A, %dma_start3A_87] : memref<64x128xf32, #tpu.memory_space<vmem>> -> memref<16x128xf32, #tpu.memory_space<vmem>>
        %dma_start3A_89 = arith.constant 9984 : i32
        %dma_start3A_90 = arith.constant 0 : i32
        %dma_start3A_91 = tpu.memref_slice %arg15[%dma_start3A_89, %dma_start3A_90] : memref<10000x128xf32, #tpu.memory_space<vmem_shared>> -> memref<16x128xf32, #tpu.memory_space<vmem_shared>>
        %dma_start3A_92 = arith.constant 9984 : i32
        %dma_start3A_93 = arith.constant 0 : i32
        %dma_start3A_94 = tpu.memref_slice %arg15[%dma_start3A_92, %dma_start3A_93] : memref<10000x128xf32, #tpu.memory_space<vmem_shared>> -> memref<16x128xf32, #tpu.memory_space<vmem_shared>>
        %dma_start3A_95 = arith.constant 0 : i32
        %dma_start3A_96 = arith.constant 0 : i32
        %dma_start3A_97 = tpu.memref_slice %arg14[%dma_start3A_95, %dma_start3A_96] : memref<64x128xf32, #tpu.memory_space<vmem>> -> memref<16x128xf32, #tpu.memory_space<vmem>>
        tpu.enqueue_dma source(%dma_start3A_97 : memref<16x128xf32, #tpu.memory_space<vmem>>) target(%dma_start3A_94 : memref<16x128xf32, #tpu.memory_space<vmem_shared>>) target_semaphore(%run_scoped3A : memref<!tpu.dma_semaphore, #tpu.memory_space<semaphore_mem>>)
        %dma_wait3A = arith.constant 0 : i32
        %dma_wait3A_98 = arith.constant 0 : i32
        %dma_wait3A_99 = tpu.memref_slice %arg14[%dma_wait3A, %dma_wait3A_98] : memref<64x128xf32, #tpu.memory_space<vmem>> -> memref<16x128xf32, #tpu.memory_space<vmem>>
        %dma_wait3A_100 = arith.constant 9984 : i32
        %dma_wait3A_101 = arith.constant 0 : i32
        %dma_wait3A_102 = tpu.memref_slice %arg15[%dma_wait3A_100, %dma_wait3A_101] : memref<10000x128xf32, #tpu.memory_space<vmem_shared>> -> memref<16x128xf32, #tpu.memory_space<vmem_shared>>
        %dma_wait3A_103 = arith.constant 9984 : i32
        %dma_wait3A_104 = arith.constant 0 : i32
        %dma_wait3A_105 = tpu.memref_slice %arg15[%dma_wait3A_103, %dma_wait3A_104] : memref<10000x128xf32, #tpu.memory_space<vmem_shared>> -> memref<16x128xf32, #tpu.memory_space<vmem_shared>>
        %dma_wait3A_106 = arith.constant 0 : i32
        %dma_wait3A_107 = arith.constant 0 : i32
        %dma_wait3A_108 = tpu.memref_slice %arg14[%dma_wait3A_106, %dma_wait3A_107] : memref<64x128xf32, #tpu.memory_space<vmem>> -> memref<16x128xf32, #tpu.memory_space<vmem>>
        tpu.wait_dma2 semaphore(%run_scoped3A : memref<!tpu.dma_semaphore, #tpu.memory_space<semaphore_mem>>) src(%dma_wait3A_108 : memref<16x128xf32, #tpu.memory_space<vmem>>) dst(%dma_wait3A_105 : memref<16x128xf32, #tpu.memory_space<vmem_shared>>)
        tpu.yield
      }) : () -> ()
    } else {
    }
    %barrier3A = arith.constant 0 : index
    tpu.barrier barrier_id(%barrier3A)
    %scan3A_76 = arith.constant 0 : i32
    %scan3A_77 = arith.constant 157 : i32
    %scan3A_78 = arith.addi %scan3A_76, %scan3A_77 : i32
    %scan3A_79 = arith.constant 1 : i32
    scf.for %scan3A_87 = %scan3A_76 to %scan3A_78 step %scan3A_79  : i32 {
      %mul3A_88 = arith.constant 1 : i32
      %mul3A_89 = arith.muli %scan3A_87, %mul3A_88 : i32
      %add3A_90 = arith.constant 0 : i32
      %add3A_91 = arith.addi %add3A_90, %mul3A_89 : i32
      %mul3A_92 = arith.constant 32 : i32
      %mul3A_93 = arith.muli %add3A_91, %mul3A_92 : i32
      %add3A_94 = arith.addi %mul3A_93, %add3A : i32
      %lt3A_95 = arith.constant 5000 : i32
      %lt3A_96 = arith.cmpi slt, %add3A_94, %lt3A_95 : i32
      %convert_element_type3A_97 = arith.extui %lt3A_96 : i1 to i32
      %cond3A_98 = arith.constant 0 : i32
      %cond3A_99 = arith.cmpi ne, %convert_element_type3A_97, %cond3A_98 : i32
      scf.if %cond3A_99 {
        %mul3A_100 = arith.constant 64 : i32
        %mul3A_101 = arith.muli %add3A_94, %mul3A_100 : i32
        "tpu.region"() ({
          %run_scoped3A = tpu.sem_alloc : memref<!tpu.dma_semaphore, #tpu.memory_space<semaphore_mem>>
          %dma_start3A_118 = tpu.memref_slice %arg2[%mul3A_101] : memref<320000xi32, #tpu.memory_space<hbm>> -> memref<64xi32, #tpu.memory_space<hbm>>
          %dma_start3A_119 = tpu.memref_slice %arg2[%mul3A_101] : memref<320000xi32, #tpu.memory_space<hbm>> -> memref<64xi32, #tpu.memory_space<hbm>>
          tpu.enqueue_dma source(%dma_start3A_119 : memref<64xi32, #tpu.memory_space<hbm>>) target(%arg10 : memref<64xi32, #tpu.memory_space<vmem>>) target_semaphore(%run_scoped3A : memref<!tpu.dma_semaphore, #tpu.memory_space<semaphore_mem>>)
          %dma_wait3A_120 = tpu.memref_slice %arg2[%mul3A_101] : memref<320000xi32, #tpu.memory_space<hbm>> -> memref<64xi32, #tpu.memory_space<hbm>>
          %dma_wait3A_121 = tpu.memref_slice %arg2[%mul3A_101] : memref<320000xi32, #tpu.memory_space<hbm>> -> memref<64xi32, #tpu.memory_space<hbm>>
          tpu.wait_dma2 semaphore(%run_scoped3A : memref<!tpu.dma_semaphore, #tpu.memory_space<semaphore_mem>>) src(%dma_wait3A_121 : memref<64xi32, #tpu.memory_space<hbm>>) dst(%arg10 : memref<64xi32, #tpu.memory_space<vmem>>)
          tpu.yield
        }) : () -> ()
        %dma_start3A = arith.constant 0 : i32
        %dma_start3A_102 = arith.constant 0 : i32
        %dma_start3A_103 = tpu.memref_slice %arg7[%dma_start3A, %dma_start3A_102] : memref<10000x128xf32, #tpu.memory_space<hbm>> -> memref<10000x128xf32, #tpu.memory_space<hbm>>
        tpu.enqueue_indirect_dma source(%dma_start3A_103 : memref<10000x128xf32, #tpu.memory_space<hbm>>) target(%arg14 : memref<64x128xf32, #tpu.memory_space<vmem>>) offsets(%arg10 : memref<64xi32, #tpu.memory_space<vmem>>) semaphore(%arg16 : memref<!tpu.dma_semaphore, #tpu.memory_space<semaphore_mem>>)
        "tpu.region"() ({
          %run_scoped3A = tpu.sem_alloc : memref<!tpu.dma_semaphore, #tpu.memory_space<semaphore_mem>>
          %dma_start3A_118 = tpu.memref_slice %arg3[%mul3A_101] : memref<320000xi32, #tpu.memory_space<hbm>> -> memref<64xi32, #tpu.memory_space<hbm>>
          %dma_start3A_119 = tpu.memref_slice %arg3[%mul3A_101] : memref<320000xi32, #tpu.memory_space<hbm>> -> memref<64xi32, #tpu.memory_space<hbm>>
          tpu.enqueue_dma source(%dma_start3A_119 : memref<64xi32, #tpu.memory_space<hbm>>) target(%arg11 : memref<64xi32, #tpu.memory_space<vmem>>) target_semaphore(%run_scoped3A : memref<!tpu.dma_semaphore, #tpu.memory_space<semaphore_mem>>)
          %dma_wait3A_120 = tpu.memref_slice %arg3[%mul3A_101] : memref<320000xi32, #tpu.memory_space<hbm>> -> memref<64xi32, #tpu.memory_space<hbm>>
          %dma_wait3A_121 = tpu.memref_slice %arg3[%mul3A_101] : memref<320000xi32, #tpu.memory_space<hbm>> -> memref<64xi32, #tpu.memory_space<hbm>>
          tpu.wait_dma2 semaphore(%run_scoped3A : memref<!tpu.dma_semaphore, #tpu.memory_space<semaphore_mem>>) src(%dma_wait3A_121 : memref<64xi32, #tpu.memory_space<hbm>>) dst(%arg11 : memref<64xi32, #tpu.memory_space<vmem>>)
          tpu.yield
        }) : () -> ()
        "tpu.region"() ({
          %run_scoped3A = tpu.sem_alloc : memref<!tpu.dma_semaphore, #tpu.memory_space<semaphore_mem>>
          %dma_start3A_118 = tpu.memref_slice %arg4[%mul3A_101] : memref<320000xi32, #tpu.memory_space<hbm>> -> memref<64xi32, #tpu.memory_space<hbm>>
          %dma_start3A_119 = tpu.memref_slice %arg4[%mul3A_101] : memref<320000xi32, #tpu.memory_space<hbm>> -> memref<64xi32, #tpu.memory_space<hbm>>
          tpu.enqueue_dma source(%dma_start3A_119 : memref<64xi32, #tpu.memory_space<hbm>>) target(%arg12 : memref<64xi32, #tpu.memory_space<vmem>>) target_semaphore(%run_scoped3A : memref<!tpu.dma_semaphore, #tpu.memory_space<semaphore_mem>>)
          %dma_wait3A_120 = tpu.memref_slice %arg4[%mul3A_101] : memref<320000xi32, #tpu.memory_space<hbm>> -> memref<64xi32, #tpu.memory_space<hbm>>
          %dma_wait3A_121 = tpu.memref_slice %arg4[%mul3A_101] : memref<320000xi32, #tpu.memory_space<hbm>> -> memref<64xi32, #tpu.memory_space<hbm>>
          tpu.wait_dma2 semaphore(%run_scoped3A : memref<!tpu.dma_semaphore, #tpu.memory_space<semaphore_mem>>) src(%dma_wait3A_121 : memref<64xi32, #tpu.memory_space<hbm>>) dst(%arg12 : memref<64xi32, #tpu.memory_space<vmem>>)
          tpu.yield
        }) : () -> ()
        "tpu.region"() ({
          %run_scoped3A = tpu.sem_alloc : memref<!tpu.dma_semaphore, #tpu.memory_space<semaphore_mem>>
          %dma_start3A_118 = tpu.memref_slice %arg5[%mul3A_101] : memref<320000xf32, #tpu.memory_space<hbm>> -> memref<64xf32, #tpu.memory_space<hbm>>
          %dma_start3A_119 = tpu.memref_slice %arg5[%mul3A_101] : memref<320000xf32, #tpu.memory_space<hbm>> -> memref<64xf32, #tpu.memory_space<hbm>>
          tpu.enqueue_dma source(%dma_start3A_119 : memref<64xf32, #tpu.memory_space<hbm>>) target(%arg13 : memref<64xf32, #tpu.memory_space<vmem>>) target_semaphore(%run_scoped3A : memref<!tpu.dma_semaphore, #tpu.memory_space<semaphore_mem>>)
          %dma_wait3A_120 = tpu.memref_slice %arg5[%mul3A_101] : memref<320000xf32, #tpu.memory_space<hbm>> -> memref<64xf32, #tpu.memory_space<hbm>>
          %dma_wait3A_121 = tpu.memref_slice %arg5[%mul3A_101] : memref<320000xf32, #tpu.memory_space<hbm>> -> memref<64xf32, #tpu.memory_space<hbm>>
          tpu.wait_dma2 semaphore(%run_scoped3A : memref<!tpu.dma_semaphore, #tpu.memory_space<semaphore_mem>>) src(%dma_wait3A_121 : memref<64xf32, #tpu.memory_space<hbm>>) dst(%arg13 : memref<64xf32, #tpu.memory_space<vmem>>)
          tpu.yield
        }) : () -> ()
        %dma_wait3A = arith.constant 0 : i32
        %dma_wait3A_104 = arith.constant 0 : i32
        %dma_wait3A_105 = tpu.memref_slice %arg7[%dma_wait3A, %dma_wait3A_104] : memref<10000x128xf32, #tpu.memory_space<hbm>> -> memref<10000x128xf32, #tpu.memory_space<hbm>>
        tpu.wait_indirect_dma semaphore(%arg16 : memref<!tpu.dma_semaphore, #tpu.memory_space<semaphore_mem>>) src(%dma_wait3A_105 : memref<10000x128xf32, #tpu.memory_space<hbm>>) dst(%arg14 : memref<64x128xf32, #tpu.memory_space<vmem>>)
        %iota3A = tpu.iota {dimensions = array<i32: 0>} : vector<16xi32>
        %shift_right_arithmetic3A = arith.constant 1 : i32
        %shift_right_arithmetic3A_106 = vector.broadcast %shift_right_arithmetic3A : i32 to vector<16xi32>
        %shift_right_arithmetic3A_107 = arith.shrsi %iota3A, %shift_right_arithmetic3A_106 : vector<16xi32>
        %and3A = arith.constant 1 : i32
        %and3A_108 = vector.broadcast %and3A : i32 to vector<16xi32>
        %and3A_109 = arith.andi %iota3A, %and3A_108 : vector<16xi32>
        %mul3A_110 = arith.constant 16 : i32
        %mul3A_111 = vector.broadcast %mul3A_110 : i32 to vector<16xi32>
        %mul3A_112 = arith.muli %and3A_109, %mul3A_111 : vector<16xi32>
        %scan3A_113 = arith.constant 0 : i32
        %scan3A_114 = arith.constant 64 : i32
        %scan3A_115 = arith.addi %scan3A_113, %scan3A_114 : i32
        %scan3A_116 = arith.constant 1 : i32
        scf.for %scan3A_118 = %scan3A_113 to %scan3A_115 step %scan3A_116  : i32 {
          %mul3A_119 = arith.constant 1 : i32
          %mul3A_120 = arith.muli %scan3A_118, %mul3A_119 : i32
          %add3A_121 = arith.constant 0 : i32
          %add3A_122 = arith.addi %add3A_121, %mul3A_120 : i32
          %shift_right_arithmetic3A_123 = arith.constant 4 : i32
          %shift_right_arithmetic3A_124 = arith.shrsi %add3A_122, %shift_right_arithmetic3A_123 : i32
          %shift_left3A = arith.constant 4 : i32
          %shift_left3A_125 = arith.shli %shift_right_arithmetic3A_124, %shift_left3A : i32
          %and3A_126 = arith.constant 15 : i32
          %and3A_127 = arith.andi %add3A_122, %and3A_126 : i32
          %eq3A_128 = vector.broadcast %and3A_127 : i32 to vector<16xi32>
          %eq3A_129 = arith.cmpi eq, %iota3A, %eq3A_128 : vector<16xi32>
          %get3A = arith.index_cast %shift_left3A_125 : i32 to index
          %get3A_130 = tpu.vector_load %arg12[%get3A] {strides = array<i32>} : memref<64xi32, #tpu.memory_space<vmem>>, vector<16xi32>,
          %get3A_131 = arith.index_cast %shift_left3A_125 : i32 to index
          %get3A_132 = tpu.vector_load %arg13[%get3A_131] {strides = array<i32>} : memref<64xf32, #tpu.memory_space<vmem>>, vector<16xf32>,
          %jit3A = arith.constant 0 : i32
          %broadcast_in_dim3A = vector.broadcast %jit3A : i32 to vector<16xi32>
          %select_n3A = arith.select %eq3A_129, %get3A_130, %broadcast_in_dim3A : vector<16xi1>, vector<16xi32>
          %reduce_sum3A = arith.constant true
          %reduce_sum3A_133 = vector.broadcast %reduce_sum3A : i1 to vector<16xi1>
          %reduce_sum3A_134 = tpu.scan <sum>, %select_n3A masked %reduce_sum3A_133 : vector<16xi32>, vector<16xi1> -> vector<16xi32>
          %reduce_sum3A_135 = vector.extract %reduce_sum3A_134[15] : i32 from vector<16xi32>
          %jit3A_136 = arith.constant 0.000000e+00 : f32
          %broadcast_in_dim3A_137 = vector.broadcast %jit3A_136 : f32 to vector<16xf32>
          %select_n3A_138 = arith.select %eq3A_129, %get3A_132, %broadcast_in_dim3A_137 : vector<16xi1>, vector<16xf32>
          %reduce_sum3A_139 = arith.constant true
          %reduce_sum3A_140 = vector.broadcast %reduce_sum3A_139 : i1 to vector<16xi1>
          %reduce_sum3A_141 = tpu.scan <sum>, %select_n3A_138 masked %reduce_sum3A_140 : vector<16xf32>, vector<16xi1> -> vector<16xf32>
          %reduce_sum3A_142 = vector.extract %reduce_sum3A_141[15] : f32 from vector<16xf32>
          %broadcast_in_dim3A_143 = vector.broadcast %reduce_sum3A_142 : f32 to vector<16xf32>
          %mul3A_144 = arith.constant 64 : i32
          %mul3A_145 = arith.muli %reduce_sum3A_135, %mul3A_144 : i32
          %broadcast_in_dim3A_146 = vector.broadcast %mul3A_145 : i32 to vector<16xi32>
          %add3A_147 = arith.addi %broadcast_in_dim3A_146, %shift_right_arithmetic3A_107 : vector<16xi32>
          %add3A_148 = arith.constant 0 : i32
          %add3A_149 = vector.broadcast %add3A_148 : i32 to vector<16xi32>
          %add3A_150 = arith.addi %add3A_147, %add3A_149 : vector<16xi32>
          %gather3A = tpu.vector_load_idx %arg9[%add3A_150] : memref<32896xi32, #tpu.memory_space<vmem>>[vector<16xi32>], vector<16xi32>,
          %add3A_151 = arith.constant 64 : i32
          %add3A_152 = vector.broadcast %add3A_151 : i32 to vector<16xi32>
          %add3A_153 = arith.addi %add3A_150, %add3A_152 : vector<16xi32>
          %gather3A_154 = tpu.vector_load_idx %arg9[%add3A_153] : memref<32896xi32, #tpu.memory_space<vmem>>[vector<16xi32>], vector<16xi32>,
          %shift_right_logical3A = arith.shrui %gather3A, %mul3A_112 : vector<16xi32>
          %shift_left3A_155 = arith.constant 16 : i32
          %shift_left3A_156 = vector.broadcast %shift_left3A_155 : i32 to vector<16xi32>
          %shift_left3A_157 = arith.shli %shift_right_logical3A, %shift_left3A_156 : vector<16xi32>
          %bitcast3A = vector.bitcast %shift_left3A_157 : vector<16xi32> to vector<16xf32>
          %shift_right_logical3A_158 = arith.shrui %gather3A_154, %mul3A_112 : vector<16xi32>
          %shift_left3A_159 = arith.constant 16 : i32
          %shift_left3A_160 = vector.broadcast %shift_left3A_159 : i32 to vector<16xi32>
          %shift_left3A_161 = arith.shli %shift_right_logical3A_158, %shift_left3A_160 : vector<16xi32>
          %bitcast3A_162 = vector.bitcast %shift_left3A_161 : vector<16xi32> to vector<16xf32>
          %get3A_163 = arith.index_cast %add3A_122 : i32 to index
          %get3A_164 = arith.constant 0 : index
          %get3A_165 = tpu.vector_load %arg14[%get3A_163, %get3A_164] {strides = array<i32>} : memref<64x128xf32, #tpu.memory_space<vmem>>, vector<16xf32>,
          %sub3A = arith.subf %bitcast3A_162, %bitcast3A : vector<16xf32>
          %mul3A_166 = arith.mulf %broadcast_in_dim3A_143, %sub3A : vector<16xf32>
          %add3A_167 = arith.addf %bitcast3A, %mul3A_166 : vector<16xf32>
          %mul3A_168 = arith.mulf %get3A_165, %add3A_167 : vector<16xf32>
          %swap3A = arith.index_cast %add3A_122 : i32 to index
          %swap3A_169 = arith.constant 0 : index
          %swap3A_170 = tpu.vector_load %arg14[%swap3A, %swap3A_169] {strides = array<i32>} : memref<64x128xf32, #tpu.memory_space<vmem>>, vector<16xf32>,
          tpu.vector_store %arg14[%swap3A, %swap3A_169], %mul3A_168 {strides = array<i32>} : memref<64x128xf32, #tpu.memory_space<vmem>>, vector<16xf32>,
          %add3A_171 = arith.constant 8 : i32
          %add3A_172 = vector.broadcast %add3A_171 : i32 to vector<16xi32>
          %add3A_173 = arith.addi %add3A_147, %add3A_172 : vector<16xi32>
          %gather3A_174 = tpu.vector_load_idx %arg9[%add3A_173] : memref<32896xi32, #tpu.memory_space<vmem>>[vector<16xi32>], vector<16xi32>,
          %add3A_175 = arith.constant 64 : i32
          %add3A_176 = vector.broadcast %add3A_175 : i32 to vector<16xi32>
          %add3A_177 = arith.addi %add3A_173, %add3A_176 : vector<16xi32>
          %gather3A_178 = tpu.vector_load_idx %arg9[%add3A_177] : memref<32896xi32, #tpu.memory_space<vmem>>[vector<16xi32>], vector<16xi32>,
          %shift_right_logical3A_179 = arith.shrui %gather3A_174, %mul3A_112 : vector<16xi32>
          %shift_left3A_180 = arith.constant 16 : i32
          %shift_left3A_181 = vector.broadcast %shift_left3A_180 : i32 to vector<16xi32>
          %shift_left3A_182 = arith.shli %shift_right_logical3A_179, %shift_left3A_181 : vector<16xi32>
          %bitcast3A_183 = vector.bitcast %shift_left3A_182 : vector<16xi32> to vector<16xf32>
          %shift_right_logical3A_184 = arith.shrui %gather3A_178, %mul3A_112 : vector<16xi32>
          %shift_left3A_185 = arith.constant 16 : i32
          %shift_left3A_186 = vector.broadcast %shift_left3A_185 : i32 to vector<16xi32>
          %shift_left3A_187 = arith.shli %shift_right_logical3A_184, %shift_left3A_186 : vector<16xi32>
          %bitcast3A_188 = vector.bitcast %shift_left3A_187 : vector<16xi32> to vector<16xf32>
          %get3A_189 = arith.index_cast %add3A_122 : i32 to index
          %get3A_190 = arith.constant 16 : index
          %get3A_191 = tpu.vector_load %arg14[%get3A_189, %get3A_190] {strides = array<i32>} : memref<64x128xf32, #tpu.memory_space<vmem>>, vector<16xf32>,
          %sub3A_192 = arith.subf %bitcast3A_188, %bitcast3A_183 : vector<16xf32>
          %mul3A_193 = arith.mulf %broadcast_in_dim3A_143, %sub3A_192 : vector<16xf32>
          %add3A_194 = arith.addf %bitcast3A_183, %mul3A_193 : vector<16xf32>
          %mul3A_195 = arith.mulf %get3A_191, %add3A_194 : vector<16xf32>
          %swap3A_196 = arith.index_cast %add3A_122 : i32 to index
          %swap3A_197 = arith.constant 16 : index
          %swap3A_198 = tpu.vector_load %arg14[%swap3A_196, %swap3A_197] {strides = array<i32>} : memref<64x128xf32, #tpu.memory_space<vmem>>, vector<16xf32>,
          tpu.vector_store %arg14[%swap3A_196, %swap3A_197], %mul3A_195 {strides = array<i32>} : memref<64x128xf32, #tpu.memory_space<vmem>>, vector<16xf32>,
          %add3A_199 = arith.constant 16 : i32
          %add3A_200 = vector.broadcast %add3A_199 : i32 to vector<16xi32>
          %add3A_201 = arith.addi %add3A_147, %add3A_200 : vector<16xi32>
          %gather3A_202 = tpu.vector_load_idx %arg9[%add3A_201] : memref<32896xi32, #tpu.memory_space<vmem>>[vector<16xi32>], vector<16xi32>,
          %add3A_203 = arith.constant 64 : i32
          %add3A_204 = vector.broadcast %add3A_203 : i32 to vector<16xi32>
          %add3A_205 = arith.addi %add3A_201, %add3A_204 : vector<16xi32>
          %gather3A_206 = tpu.vector_load_idx %arg9[%add3A_205] : memref<32896xi32, #tpu.memory_space<vmem>>[vector<16xi32>], vector<16xi32>,
          %shift_right_logical3A_207 = arith.shrui %gather3A_202, %mul3A_112 : vector<16xi32>
          %shift_left3A_208 = arith.constant 16 : i32
          %shift_left3A_209 = vector.broadcast %shift_left3A_208 : i32 to vector<16xi32>
          %shift_left3A_210 = arith.shli %shift_right_logical3A_207, %shift_left3A_209 : vector<16xi32>
          %bitcast3A_211 = vector.bitcast %shift_left3A_210 : vector<16xi32> to vector<16xf32>
          %shift_right_logical3A_212 = arith.shrui %gather3A_206, %mul3A_112 : vector<16xi32>
          %shift_left3A_213 = arith.constant 16 : i32
          %shift_left3A_214 = vector.broadcast %shift_left3A_213 : i32 to vector<16xi32>
          %shift_left3A_215 = arith.shli %shift_right_logical3A_212, %shift_left3A_214 : vector<16xi32>
          %bitcast3A_216 = vector.bitcast %shift_left3A_215 : vector<16xi32> to vector<16xf32>
          %get3A_217 = arith.index_cast %add3A_122 : i32 to index
          %get3A_218 = arith.constant 32 : index
          %get3A_219 = tpu.vector_load %arg14[%get3A_217, %get3A_218] {strides = array<i32>} : memref<64x128xf32, #tpu.memory_space<vmem>>, vector<16xf32>,
          %sub3A_220 = arith.subf %bitcast3A_216, %bitcast3A_211 : vector<16xf32>
          %mul3A_221 = arith.mulf %broadcast_in_dim3A_143, %sub3A_220 : vector<16xf32>
          %add3A_222 = arith.addf %bitcast3A_211, %mul3A_221 : vector<16xf32>
          %mul3A_223 = arith.mulf %get3A_219, %add3A_222 : vector<16xf32>
          %swap3A_224 = arith.index_cast %add3A_122 : i32 to index
          %swap3A_225 = arith.constant 32 : index
          %swap3A_226 = tpu.vector_load %arg14[%swap3A_224, %swap3A_225] {strides = array<i32>} : memref<64x128xf32, #tpu.memory_space<vmem>>, vector<16xf32>,
          tpu.vector_store %arg14[%swap3A_224, %swap3A_225], %mul3A_223 {strides = array<i32>} : memref<64x128xf32, #tpu.memory_space<vmem>>, vector<16xf32>,
          %add3A_227 = arith.constant 24 : i32
          %add3A_228 = vector.broadcast %add3A_227 : i32 to vector<16xi32>
          %add3A_229 = arith.addi %add3A_147, %add3A_228 : vector<16xi32>
          %gather3A_230 = tpu.vector_load_idx %arg9[%add3A_229] : memref<32896xi32, #tpu.memory_space<vmem>>[vector<16xi32>], vector<16xi32>,
          %add3A_231 = arith.constant 64 : i32
          %add3A_232 = vector.broadcast %add3A_231 : i32 to vector<16xi32>
          %add3A_233 = arith.addi %add3A_229, %add3A_232 : vector<16xi32>
          %gather3A_234 = tpu.vector_load_idx %arg9[%add3A_233] : memref<32896xi32, #tpu.memory_space<vmem>>[vector<16xi32>], vector<16xi32>,
          %shift_right_logical3A_235 = arith.shrui %gather3A_230, %mul3A_112 : vector<16xi32>
          %shift_left3A_236 = arith.constant 16 : i32
          %shift_left3A_237 = vector.broadcast %shift_left3A_236 : i32 to vector<16xi32>
          %shift_left3A_238 = arith.shli %shift_right_logical3A_235, %shift_left3A_237 : vector<16xi32>
          %bitcast3A_239 = vector.bitcast %shift_left3A_238 : vector<16xi32> to vector<16xf32>
          %shift_right_logical3A_240 = arith.shrui %gather3A_234, %mul3A_112 : vector<16xi32>
          %shift_left3A_241 = arith.constant 16 : i32
          %shift_left3A_242 = vector.broadcast %shift_left3A_241 : i32 to vector<16xi32>
          %shift_left3A_243 = arith.shli %shift_right_logical3A_240, %shift_left3A_242 : vector<16xi32>
          %bitcast3A_244 = vector.bitcast %shift_left3A_243 : vector<16xi32> to vector<16xf32>
          %get3A_245 = arith.index_cast %add3A_122 : i32 to index
          %get3A_246 = arith.constant 48 : index
          %get3A_247 = tpu.vector_load %arg14[%get3A_245, %get3A_246] {strides = array<i32>} : memref<64x128xf32, #tpu.memory_space<vmem>>, vector<16xf32>,
          %sub3A_248 = arith.subf %bitcast3A_244, %bitcast3A_239 : vector<16xf32>
          %mul3A_249 = arith.mulf %broadcast_in_dim3A_143, %sub3A_248 : vector<16xf32>
          %add3A_250 = arith.addf %bitcast3A_239, %mul3A_249 : vector<16xf32>
          %mul3A_251 = arith.mulf %get3A_247, %add3A_250 : vector<16xf32>
          %swap3A_252 = arith.index_cast %add3A_122 : i32 to index
          %swap3A_253 = arith.constant 48 : index
          %swap3A_254 = tpu.vector_load %arg14[%swap3A_252, %swap3A_253] {strides = array<i32>} : memref<64x128xf32, #tpu.memory_space<vmem>>, vector<16xf32>,
          tpu.vector_store %arg14[%swap3A_252, %swap3A_253], %mul3A_251 {strides = array<i32>} : memref<64x128xf32, #tpu.memory_space<vmem>>, vector<16xf32>,
          %add3A_255 = arith.constant 32 : i32
          %add3A_256 = vector.broadcast %add3A_255 : i32 to vector<16xi32>
          %add3A_257 = arith.addi %add3A_147, %add3A_256 : vector<16xi32>
          %gather3A_258 = tpu.vector_load_idx %arg9[%add3A_257] : memref<32896xi32, #tpu.memory_space<vmem>>[vector<16xi32>], vector<16xi32>,
          %add3A_259 = arith.constant 64 : i32
          %add3A_260 = vector.broadcast %add3A_259 : i32 to vector<16xi32>
          %add3A_261 = arith.addi %add3A_257, %add3A_260 : vector<16xi32>
          %gather3A_262 = tpu.vector_load_idx %arg9[%add3A_261] : memref<32896xi32, #tpu.memory_space<vmem>>[vector<16xi32>], vector<16xi32>,
          %shift_right_logical3A_263 = arith.shrui %gather3A_258, %mul3A_112 : vector<16xi32>
          %shift_left3A_264 = arith.constant 16 : i32
          %shift_left3A_265 = vector.broadcast %shift_left3A_264 : i32 to vector<16xi32>
          %shift_left3A_266 = arith.shli %shift_right_logical3A_263, %shift_left3A_265 : vector<16xi32>
          %bitcast3A_267 = vector.bitcast %shift_left3A_266 : vector<16xi32> to vector<16xf32>
          %shift_right_logical3A_268 = arith.shrui %gather3A_262, %mul3A_112 : vector<16xi32>
          %shift_left3A_269 = arith.constant 16 : i32
          %shift_left3A_270 = vector.broadcast %shift_left3A_269 : i32 to vector<16xi32>
          %shift_left3A_271 = arith.shli %shift_right_logical3A_268, %shift_left3A_270 : vector<16xi32>
          %bitcast3A_272 = vector.bitcast %shift_left3A_271 : vector<16xi32> to vector<16xf32>
          %get3A_273 = arith.index_cast %add3A_122 : i32 to index
          %get3A_274 = arith.constant 64 : index
          %get3A_275 = tpu.vector_load %arg14[%get3A_273, %get3A_274] {strides = array<i32>} : memref<64x128xf32, #tpu.memory_space<vmem>>, vector<16xf32>,
          %sub3A_276 = arith.subf %bitcast3A_272, %bitcast3A_267 : vector<16xf32>
          %mul3A_277 = arith.mulf %broadcast_in_dim3A_143, %sub3A_276 : vector<16xf32>
          %add3A_278 = arith.addf %bitcast3A_267, %mul3A_277 : vector<16xf32>
          %mul3A_279 = arith.mulf %get3A_275, %add3A_278 : vector<16xf32>
          %swap3A_280 = arith.index_cast %add3A_122 : i32 to index
          %swap3A_281 = arith.constant 64 : index
          %swap3A_282 = tpu.vector_load %arg14[%swap3A_280, %swap3A_281] {strides = array<i32>} : memref<64x128xf32, #tpu.memory_space<vmem>>, vector<16xf32>,
          tpu.vector_store %arg14[%swap3A_280, %swap3A_281], %mul3A_279 {strides = array<i32>} : memref<64x128xf32, #tpu.memory_space<vmem>>, vector<16xf32>,
          %add3A_283 = arith.constant 40 : i32
          %add3A_284 = vector.broadcast %add3A_283 : i32 to vector<16xi32>
          %add3A_285 = arith.addi %add3A_147, %add3A_284 : vector<16xi32>
          %gather3A_286 = tpu.vector_load_idx %arg9[%add3A_285] : memref<32896xi32, #tpu.memory_space<vmem>>[vector<16xi32>], vector<16xi32>,
          %add3A_287 = arith.constant 64 : i32
          %add3A_288 = vector.broadcast %add3A_287 : i32 to vector<16xi32>
          %add3A_289 = arith.addi %add3A_285, %add3A_288 : vector<16xi32>
          %gather3A_290 = tpu.vector_load_idx %arg9[%add3A_289] : memref<32896xi32, #tpu.memory_space<vmem>>[vector<16xi32>], vector<16xi32>,
          %shift_right_logical3A_291 = arith.shrui %gather3A_286, %mul3A_112 : vector<16xi32>
          %shift_left3A_292 = arith.constant 16 : i32
          %shift_left3A_293 = vector.broadcast %shift_left3A_292 : i32 to vector<16xi32>
          %shift_left3A_294 = arith.shli %shift_right_logical3A_291, %shift_left3A_293 : vector<16xi32>
          %bitcast3A_295 = vector.bitcast %shift_left3A_294 : vector<16xi32> to vector<16xf32>
          %shift_right_logical3A_296 = arith.shrui %gather3A_290, %mul3A_112 : vector<16xi32>
          %shift_left3A_297 = arith.constant 16 : i32
          %shift_left3A_298 = vector.broadcast %shift_left3A_297 : i32 to vector<16xi32>
          %shift_left3A_299 = arith.shli %shift_right_logical3A_296, %shift_left3A_298 : vector<16xi32>
          %bitcast3A_300 = vector.bitcast %shift_left3A_299 : vector<16xi32> to vector<16xf32>
          %get3A_301 = arith.index_cast %add3A_122 : i32 to index
          %get3A_302 = arith.constant 80 : index
          %get3A_303 = tpu.vector_load %arg14[%get3A_301, %get3A_302] {strides = array<i32>} : memref<64x128xf32, #tpu.memory_space<vmem>>, vector<16xf32>,
          %sub3A_304 = arith.subf %bitcast3A_300, %bitcast3A_295 : vector<16xf32>
          %mul3A_305 = arith.mulf %broadcast_in_dim3A_143, %sub3A_304 : vector<16xf32>
          %add3A_306 = arith.addf %bitcast3A_295, %mul3A_305 : vector<16xf32>
          %mul3A_307 = arith.mulf %get3A_303, %add3A_306 : vector<16xf32>
          %swap3A_308 = arith.index_cast %add3A_122 : i32 to index
          %swap3A_309 = arith.constant 80 : index
          %swap3A_310 = tpu.vector_load %arg14[%swap3A_308, %swap3A_309] {strides = array<i32>} : memref<64x128xf32, #tpu.memory_space<vmem>>, vector<16xf32>,
          tpu.vector_store %arg14[%swap3A_308, %swap3A_309], %mul3A_307 {strides = array<i32>} : memref<64x128xf32, #tpu.memory_space<vmem>>, vector<16xf32>,
          %add3A_311 = arith.constant 48 : i32
          %add3A_312 = vector.broadcast %add3A_311 : i32 to vector<16xi32>
          %add3A_313 = arith.addi %add3A_147, %add3A_312 : vector<16xi32>
          %gather3A_314 = tpu.vector_load_idx %arg9[%add3A_313] : memref<32896xi32, #tpu.memory_space<vmem>>[vector<16xi32>], vector<16xi32>,
          %add3A_315 = arith.constant 64 : i32
          %add3A_316 = vector.broadcast %add3A_315 : i32 to vector<16xi32>
          %add3A_317 = arith.addi %add3A_313, %add3A_316 : vector<16xi32>
          %gather3A_318 = tpu.vector_load_idx %arg9[%add3A_317] : memref<32896xi32, #tpu.memory_space<vmem>>[vector<16xi32>], vector<16xi32>,
          %shift_right_logical3A_319 = arith.shrui %gather3A_314, %mul3A_112 : vector<16xi32>
          %shift_left3A_320 = arith.constant 16 : i32
          %shift_left3A_321 = vector.broadcast %shift_left3A_320 : i32 to vector<16xi32>
          %shift_left3A_322 = arith.shli %shift_right_logical3A_319, %shift_left3A_321 : vector<16xi32>
          %bitcast3A_323 = vector.bitcast %shift_left3A_322 : vector<16xi32> to vector<16xf32>
          %shift_right_logical3A_324 = arith.shrui %gather3A_318, %mul3A_112 : vector<16xi32>
          %shift_left3A_325 = arith.constant 16 : i32
          %shift_left3A_326 = vector.broadcast %shift_left3A_325 : i32 to vector<16xi32>
          %shift_left3A_327 = arith.shli %shift_right_logical3A_324, %shift_left3A_326 : vector<16xi32>
          %bitcast3A_328 = vector.bitcast %shift_left3A_327 : vector<16xi32> to vector<16xf32>
          %get3A_329 = arith.index_cast %add3A_122 : i32 to index
          %get3A_330 = arith.constant 96 : index
          %get3A_331 = tpu.vector_load %arg14[%get3A_329, %get3A_330] {strides = array<i32>} : memref<64x128xf32, #tpu.memory_space<vmem>>, vector<16xf32>,
          %sub3A_332 = arith.subf %bitcast3A_328, %bitcast3A_323 : vector<16xf32>
          %mul3A_333 = arith.mulf %broadcast_in_dim3A_143, %sub3A_332 : vector<16xf32>
          %add3A_334 = arith.addf %bitcast3A_323, %mul3A_333 : vector<16xf32>
          %mul3A_335 = arith.mulf %get3A_331, %add3A_334 : vector<16xf32>
          %swap3A_336 = arith.index_cast %add3A_122 : i32 to index
          %swap3A_337 = arith.constant 96 : index
          %swap3A_338 = tpu.vector_load %arg14[%swap3A_336, %swap3A_337] {strides = array<i32>} : memref<64x128xf32, #tpu.memory_space<vmem>>, vector<16xf32>,
          tpu.vector_store %arg14[%swap3A_336, %swap3A_337], %mul3A_335 {strides = array<i32>} : memref<64x128xf32, #tpu.memory_space<vmem>>, vector<16xf32>,
          %add3A_339 = arith.constant 56 : i32
          %add3A_340 = vector.broadcast %add3A_339 : i32 to vector<16xi32>
          %add3A_341 = arith.addi %add3A_147, %add3A_340 : vector<16xi32>
          %gather3A_342 = tpu.vector_load_idx %arg9[%add3A_341] : memref<32896xi32, #tpu.memory_space<vmem>>[vector<16xi32>], vector<16xi32>,
          %add3A_343 = arith.constant 64 : i32
          %add3A_344 = vector.broadcast %add3A_343 : i32 to vector<16xi32>
          %add3A_345 = arith.addi %add3A_341, %add3A_344 : vector<16xi32>
          %gather3A_346 = tpu.vector_load_idx %arg9[%add3A_345] : memref<32896xi32, #tpu.memory_space<vmem>>[vector<16xi32>], vector<16xi32>,
          %shift_right_logical3A_347 = arith.shrui %gather3A_342, %mul3A_112 : vector<16xi32>
          %shift_left3A_348 = arith.constant 16 : i32
          %shift_left3A_349 = vector.broadcast %shift_left3A_348 : i32 to vector<16xi32>
          %shift_left3A_350 = arith.shli %shift_right_logical3A_347, %shift_left3A_349 : vector<16xi32>
          %bitcast3A_351 = vector.bitcast %shift_left3A_350 : vector<16xi32> to vector<16xf32>
          %shift_right_logical3A_352 = arith.shrui %gather3A_346, %mul3A_112 : vector<16xi32>
          %shift_left3A_353 = arith.constant 16 : i32
          %shift_left3A_354 = vector.broadcast %shift_left3A_353 : i32 to vector<16xi32>
          %shift_left3A_355 = arith.shli %shift_right_logical3A_352, %shift_left3A_354 : vector<16xi32>
          %bitcast3A_356 = vector.bitcast %shift_left3A_355 : vector<16xi32> to vector<16xf32>
          %get3A_357 = arith.index_cast %add3A_122 : i32 to index
          %get3A_358 = arith.constant 112 : index
          %get3A_359 = tpu.vector_load %arg14[%get3A_357, %get3A_358] {strides = array<i32>} : memref<64x128xf32, #tpu.memory_space<vmem>>, vector<16xf32>,
          %sub3A_360 = arith.subf %bitcast3A_356, %bitcast3A_351 : vector<16xf32>
          %mul3A_361 = arith.mulf %broadcast_in_dim3A_143, %sub3A_360 : vector<16xf32>
          %add3A_362 = arith.addf %bitcast3A_351, %mul3A_361 : vector<16xf32>
          %mul3A_363 = arith.mulf %get3A_359, %add3A_362 : vector<16xf32>
          %swap3A_364 = arith.index_cast %add3A_122 : i32 to index
          %swap3A_365 = arith.constant 112 : index
          %swap3A_366 = tpu.vector_load %arg14[%swap3A_364, %swap3A_365] {strides = array<i32>} : memref<64x128xf32, #tpu.memory_space<vmem>>, vector<16xf32>,
          tpu.vector_store %arg14[%swap3A_364, %swap3A_365], %mul3A_363 {strides = array<i32>} : memref<64x128xf32, #tpu.memory_space<vmem>>, vector<16xf32>,
        }
        %scan3A_117 = arith.constant 64 : i32
        "tpu.region"() ({
          %run_scoped3A = tpu.sem_alloc : memref<!tpu.dma_semaphore, #tpu.memory_space<semaphore_mem>>
          %dma_start3A_118 = arith.constant 0 : i32
          %dma_start3A_119 = arith.constant 0 : i32
          %dma_start3A_120 = tpu.memref_slice %arg15[%dma_start3A_118, %dma_start3A_119] : memref<10000x128xf32, #tpu.memory_space<vmem_shared>> -> memref<10000x128xf32, #tpu.memory_space<vmem_shared>>
          tpu.enqueue_indirect_dma source(%arg14 : memref<64x128xf32, #tpu.memory_space<vmem>>) target(%dma_start3A_120 : memref<10000x128xf32, #tpu.memory_space<vmem_shared>>) offsets(%arg11 : memref<64xi32, #tpu.memory_space<vmem>>) semaphore(%run_scoped3A : memref<!tpu.dma_semaphore, #tpu.memory_space<semaphore_mem>>) {add = true}
          %dma_wait3A_121 = arith.constant 0 : i32
          %dma_wait3A_122 = arith.constant 0 : i32
          %dma_wait3A_123 = tpu.memref_slice %arg15[%dma_wait3A_121, %dma_wait3A_122] : memref<10000x128xf32, #tpu.memory_space<vmem_shared>> -> memref<10000x128xf32, #tpu.memory_space<vmem_shared>>
          tpu.wait_indirect_dma semaphore(%run_scoped3A : memref<!tpu.dma_semaphore, #tpu.memory_space<semaphore_mem>>) src(%arg14 : memref<64x128xf32, #tpu.memory_space<vmem>>) dst(%dma_wait3A_123 : memref<10000x128xf32, #tpu.memory_space<vmem_shared>>)
          tpu.yield
        }) : () -> ()
      } else {
      }
    }
    %scan3A_80 = arith.constant 157 : i32
    %barrier3A_81 = arith.constant 0 : index
    tpu.barrier barrier_id(%barrier3A_81)
    %eq3A_82 = arith.constant 0 : i32
    %eq3A_83 = arith.cmpi eq, %arg1, %eq3A_82 : i32
    %convert_element_type3A_84 = arith.extui %eq3A_83 : i1 to i32
    %cond3A_85 = arith.constant 0 : i32
    %cond3A_86 = arith.cmpi ne, %convert_element_type3A_84, %cond3A_85 : i32
    scf.if %cond3A_86 {
      "tpu.region"() ({
        %run_scoped3A = tpu.sem_alloc : memref<!tpu.dma_semaphore, #tpu.memory_space<semaphore_mem>>
        %dma_start3A = arith.constant 0 : i32
        %dma_start3A_87 = arith.constant 0 : i32
        %dma_start3A_88 = tpu.memref_slice %arg8[%arg0, %dma_start3A, %dma_start3A_87] : memref<2x10000x128xf32, #tpu.memory_space<hbm>> -> memref<1x10000x128xf32, #tpu.memory_space<hbm>>
        %dma_start3A_89 = tpu.memref_squeeze %dma_start3A_88 : memref<1x10000x128xf32, #tpu.memory_space<hbm>> -> memref<10000x128xf32, #tpu.memory_space<hbm>>
        tpu.enqueue_dma source(%arg15 : memref<10000x128xf32, #tpu.memory_space<vmem_shared>>) target(%dma_start3A_89 : memref<10000x128xf32, #tpu.memory_space<hbm>>) target_semaphore(%run_scoped3A : memref<!tpu.dma_semaphore, #tpu.memory_space<semaphore_mem>>)
        %dma_wait3A = arith.constant 0 : i32
        %dma_wait3A_90 = arith.constant 0 : i32
        %dma_wait3A_91 = tpu.memref_slice %arg8[%arg0, %dma_wait3A, %dma_wait3A_90] : memref<2x10000x128xf32, #tpu.memory_space<hbm>> -> memref<1x10000x128xf32, #tpu.memory_space<hbm>>
        %dma_wait3A_92 = tpu.memref_squeeze %dma_wait3A_91 : memref<1x10000x128xf32, #tpu.memory_space<hbm>> -> memref<10000x128xf32, #tpu.memory_space<hbm>>
        tpu.wait_dma2 semaphore(%run_scoped3A : memref<!tpu.dma_semaphore, #tpu.memory_space<semaphore_mem>>) src(%arg15 : memref<10000x128xf32, #tpu.memory_space<vmem_shared>>) dst(%dma_wait3A_92 : memref<10000x128xf32, #tpu.memory_space<hbm>>)
        tpu.yield
      }) : () -> ()
    } else {
    }
    return
  }
}

module attributes {stable_mosaic.version = 14 : i64} {
  func.func @_table_body(%arg0: i32, %arg1: memref<128x128xf32, #tpu.memory_space<vmem>>, %arg2: memref<1x128xf32, #tpu.memory_space<vmem>>, %arg3: memref<128x128xf32, #tpu.memory_space<vmem>>, %arg4: memref<1x128xf32, #tpu.memory_space<vmem>>, %arg5: memref<128x128xf32, #tpu.memory_space<vmem>>) attributes {dimension_semantics = [#tpu.dimension_semantics<arbitrary>], iteration_bounds = array<i64: 5>, scalar_prefetch = 0 : i64, scratch_operands = 0 : i64, tpu.core_type = #tpu.core_type<tc>, window_params = [{pipeline_mode = #tpu.pipeline_mode<synchronous>, transform_indices = @transform_0, window_bounds = array<i64: 128, 128>}, {pipeline_mode = #tpu.pipeline_mode<synchronous>, transform_indices = @transform_1, window_bounds = array<i64: 1, 128>}, {pipeline_mode = #tpu.pipeline_mode<synchronous>, transform_indices = @transform_2, window_bounds = array<i64: 128, 128>}, {pipeline_mode = #tpu.pipeline_mode<synchronous>, transform_indices = @transform_3, window_bounds = array<i64: 1, 128>}, {transform_indices = @transform_4, window_bounds = array<i64: 128, 128>}]} {
    %iota3A = tpu.iota {dimensions = array<i32: 0>} : vector<128x128xi32>
    %convert_element_type3A = arith.sitofp %iota3A : vector<128x128xi32> to vector<128x128xf32>
    %iota3A_0 = tpu.iota {dimensions = array<i32: 1>} : vector<128x128xi32>
    %convert_element_type3A_1 = arith.sitofp %iota3A_0 : vector<128x128xi32> to vector<128x128xf32>
    %convert_element_type3A_2 = arith.sitofp %arg0 : i32 to f32
    %mul3A = arith.constant 1.280000e+02 : f32
    %mul3A_3 = arith.mulf %convert_element_type3A_2, %mul3A : f32
    %add3A = vector.broadcast %mul3A_3 : f32 to vector<128x128xf32>
    %add3A_4 = arith.addf %convert_element_type3A, %add3A : vector<128x128xf32>
    %mul3A_5 = arith.constant 0.009765625 : f32
    %mul3A_6 = vector.broadcast %mul3A_5 : f32 to vector<128x128xf32>
    %mul3A_7 = arith.mulf %add3A_4, %mul3A_6 : vector<128x128xf32>
    %mul3A_8 = arith.constant 0.0393700786 : f32
    %mul3A_9 = vector.broadcast %mul3A_8 : f32 to vector<128x128xf32>
    %mul3A_10 = arith.mulf %convert_element_type3A_1, %mul3A_9 : vector<128x128xf32>
    %sub3A = arith.subf %mul3A_7, %mul3A_10 : vector<128x128xf32>
    %integer_pow3A = arith.mulf %sub3A, %sub3A : vector<128x128xf32>
    %neg3A = arith.constant 0.000000e+00 : f32
    %neg3A_11 = vector.broadcast %neg3A : f32 to vector<128x128xf32>
    %neg3A_12 = arith.subf %neg3A_11, %integer_pow3A : vector<128x128xf32>
    %div3A = arith.constant 0.00310000614 : f32
    %div3A_13 = vector.broadcast %div3A : f32 to vector<128x128xf32>
    %div3A_14 = arith.divf %neg3A_12, %div3A_13 : vector<128x128xf32>
    %exp3A = math.exp %div3A_14 : vector<128x128xf32>
    %get3A = arith.constant 0 : index
    %get3A_15 = arith.constant 0 : index
    %get3A_16 = vector.load %arg1[%get3A, %get3A_15] : memref<128x128xf32, #tpu.memory_space<vmem>>, vector<128x128xf32>
    %dot_general3A = arith.constant dense<0.000000e+00> : vector<128x128xf32>
    %dot_general3A_17 = tpu.matmul %exp3A, %get3A_16, %dot_general3A {dimension_numbers = #tpu.dot_dimension_numbers<[1], [0], [0], [1], [0, 0, 1, 1], [], []>, transpose_lhs_hint = false} : vector<128x128xf32>, vector<128x128xf32>, vector<128x128xf32> -> vector<128x128xf32>
    %get3A_18 = arith.constant 0 : index
    %get3A_19 = arith.constant 0 : index
    %get3A_20 = vector.load %arg2[%get3A_18, %get3A_19] : memref<1x128xf32, #tpu.memory_space<vmem>>, vector<1x128xf32>
    %add3A_21 = vector.broadcast %get3A_20 : vector<1x128xf32> to vector<128x128xf32>
    %add3A_22 = arith.addf %dot_general3A_17, %add3A_21 : vector<128x128xf32>
    %max3A = arith.constant 0.000000e+00 : f32
    %max3A_23 = vector.broadcast %max3A : f32 to vector<128x128xf32>
    %max3A_24 = arith.maximumf %add3A_22, %max3A_23 : vector<128x128xf32>
    %abs3A = math.absf %add3A_22 : vector<128x128xf32>
    %neg3A_25 = arith.constant 0.000000e+00 : f32
    %neg3A_26 = vector.broadcast %neg3A_25 : f32 to vector<128x128xf32>
    %neg3A_27 = arith.subf %neg3A_26, %abs3A : vector<128x128xf32>
    %exp3A_28 = math.exp %neg3A_27 : vector<128x128xf32>
    %add3A_29 = arith.constant 1.000000e+00 : f32
    %add3A_30 = vector.broadcast %add3A_29 : f32 to vector<128x128xf32>
    %add3A_31 = arith.addf %add3A_30, %exp3A_28 : vector<128x128xf32>
    %log3A = math.log %add3A_31 : vector<128x128xf32>
    %add3A_32 = arith.addf %max3A_24, %log3A : vector<128x128xf32>
    %sub3A_33 = arith.constant 0.693147182 : f32
    %sub3A_34 = vector.broadcast %sub3A_33 : f32 to vector<128x128xf32>
    %sub3A_35 = arith.subf %add3A_32, %sub3A_34 : vector<128x128xf32>
    %get3A_36 = arith.constant 0 : index
    %get3A_37 = arith.constant 0 : index
    %get3A_38 = vector.load %arg3[%get3A_36, %get3A_37] : memref<128x128xf32, #tpu.memory_space<vmem>>, vector<128x128xf32>
    %dot_general3A_39 = arith.constant dense<0.000000e+00> : vector<128x128xf32>
    %dot_general3A_40 = tpu.matmul %sub3A_35, %get3A_38, %dot_general3A_39 {dimension_numbers = #tpu.dot_dimension_numbers<[1], [0], [0], [1], [0, 0, 1, 1], [], []>, transpose_lhs_hint = false} : vector<128x128xf32>, vector<128x128xf32>, vector<128x128xf32> -> vector<128x128xf32>
    %get3A_41 = arith.constant 0 : index
    %get3A_42 = arith.constant 0 : index
    %get3A_43 = vector.load %arg4[%get3A_41, %get3A_42] : memref<1x128xf32, #tpu.memory_space<vmem>>, vector<1x128xf32>
    %add3A_44 = vector.broadcast %get3A_43 : vector<1x128xf32> to vector<128x128xf32>
    %add3A_45 = arith.addf %dot_general3A_40, %add3A_44 : vector<128x128xf32>
    %max3A_46 = arith.constant 0.000000e+00 : f32
    %max3A_47 = vector.broadcast %max3A_46 : f32 to vector<128x128xf32>
    %max3A_48 = arith.maximumf %add3A_45, %max3A_47 : vector<128x128xf32>
    %abs3A_49 = math.absf %add3A_45 : vector<128x128xf32>
    %neg3A_50 = arith.constant 0.000000e+00 : f32
    %neg3A_51 = vector.broadcast %neg3A_50 : f32 to vector<128x128xf32>
    %neg3A_52 = arith.subf %neg3A_51, %abs3A_49 : vector<128x128xf32>
    %exp3A_53 = math.exp %neg3A_52 : vector<128x128xf32>
    %add3A_54 = arith.constant 1.000000e+00 : f32
    %add3A_55 = vector.broadcast %add3A_54 : f32 to vector<128x128xf32>
    %add3A_56 = arith.addf %add3A_55, %exp3A_53 : vector<128x128xf32>
    %log3A_57 = math.log %add3A_56 : vector<128x128xf32>
    %add3A_58 = arith.addf %max3A_48, %log3A_57 : vector<128x128xf32>
    %sub3A_59 = arith.constant 0.693147182 : f32
    %sub3A_60 = vector.broadcast %sub3A_59 : f32 to vector<128x128xf32>
    %sub3A_61 = arith.subf %add3A_58, %sub3A_60 : vector<128x128xf32>
    %lt3A = arith.constant 5.000000e+00 : f32
    %lt3A_62 = vector.broadcast %lt3A : f32 to vector<128x128xf32>
    %lt3A_63 = arith.cmpf olt, %mul3A_7, %lt3A_62 : vector<128x128xf32>
    %mul3A_64 = arith.constant 0.628318548 : f32
    %mul3A_65 = vector.broadcast %mul3A_64 : f32 to vector<128x128xf32>
    %mul3A_66 = arith.mulf %mul3A_65, %mul3A_7 : vector<128x128xf32>
    %cos3A = math.cos %mul3A_66 : vector<128x128xf32>
    %mul3A_67 = arith.constant 5.000000e-01 : f32
    %mul3A_68 = vector.broadcast %mul3A_67 : f32 to vector<128x128xf32>
    %mul3A_69 = arith.mulf %mul3A_68, %cos3A : vector<128x128xf32>
    %add3A_70 = arith.constant 5.000000e-01 : f32
    %add3A_71 = vector.broadcast %add3A_70 : f32 to vector<128x128xf32>
    %add3A_72 = arith.addf %mul3A_69, %add3A_71 : vector<128x128xf32>
    %jit3A = arith.constant 0.000000e+00 : f32
    %broadcast_in_dim3A = vector.broadcast %jit3A : f32 to vector<128x128xf32>
    %select_n3A = arith.select %lt3A_63, %add3A_72, %broadcast_in_dim3A : vector<128x128xi1>, vector<128x128xf32>
    %mul3A_73 = arith.mulf %sub3A_61, %select_n3A : vector<128x128xf32>
    %swap3A = arith.constant 0 : index
    %swap3A_74 = arith.constant 0 : index
    %swap3A_75 = vector.load %arg5[%swap3A, %swap3A_74] : memref<128x128xf32, #tpu.memory_space<vmem>>, vector<128x128xf32>
    tpu.vector_store %arg5[%swap3A, %swap3A_74], %mul3A_73 {strides = array<i32>} : memref<128x128xf32, #tpu.memory_space<vmem>>, vector<128x128xf32>,
    return
  }
  func.func @transform_0(%arg0: i32) -> (i32, i32) {
    %c0_i32 = arith.constant 0 : i32
    %c0_i32_0 = arith.constant 0 : i32
    %c0_i32_1 = arith.constant 0 : i32
    return %c0_i32, %c0_i32_0 : i32, i32
  }
  func.func @transform_1(%arg0: i32) -> (i32, i32) {
    %c0_i32 = arith.constant 0 : i32
    %c0_i32_0 = arith.constant 0 : i32
    %c0_i32_1 = arith.constant 0 : i32
    return %c0_i32, %c0_i32_0 : i32, i32
  }
  func.func @transform_2(%arg0: i32) -> (i32, i32) {
    %c0_i32 = arith.constant 0 : i32
    %c0_i32_0 = arith.constant 0 : i32
    %c0_i32_1 = arith.constant 0 : i32
    return %c0_i32, %c0_i32_0 : i32, i32
  }
  func.func @transform_3(%arg0: i32) -> (i32, i32) {
    %c0_i32 = arith.constant 0 : i32
    %c0_i32_0 = arith.constant 0 : i32
    %c0_i32_1 = arith.constant 0 : i32
    return %c0_i32, %c0_i32_0 : i32, i32
  }
  func.func @transform_4(%arg0: i32) -> (i32, i32) {
    %c0_i32 = arith.constant 0 : i32
    %c0_i32_0 = arith.constant 0 : i32
    return %arg0, %c0_i32 : i32, i32
  }
}

module attributes {stable_mosaic.version = 14 : i64} {
  func.func @_sum_body(%arg0: i32, %arg1: memref<2x2000x128xf32, #tpu.memory_space<vmem>>, %arg2: memref<2000x128xf32, #tpu.memory_space<vmem>>) attributes {dimension_semantics = [#tpu.dimension_semantics<arbitrary>], iteration_bounds = array<i64: 5>, scalar_prefetch = 0 : i64, scratch_operands = 0 : i64, tpu.core_type = #tpu.core_type<tc>, window_params = [{transform_indices = @transform_0, window_bounds = array<i64: 2, 2000, 128>}, {transform_indices = @transform_1, window_bounds = array<i64: 2000, 128>}]} {
    %get3A = arith.constant 0 : index
    %get3A_0 = arith.constant 0 : index
    %get3A_1 = arith.constant 0 : index
    %get3A_2 = vector.load %arg1[%get3A, %get3A_0, %get3A_1] : memref<2x2000x128xf32, #tpu.memory_space<vmem>>, vector<1x2000x128xf32>
    %get3A_3 = vector.shape_cast %get3A_2 : vector<1x2000x128xf32> to vector<2000x128xf32>
    %get3A_4 = arith.constant 1 : index
    %get3A_5 = arith.constant 0 : index
    %get3A_6 = arith.constant 0 : index
    %get3A_7 = vector.load %arg1[%get3A_4, %get3A_5, %get3A_6] : memref<2x2000x128xf32, #tpu.memory_space<vmem>>, vector<1x2000x128xf32>
    %get3A_8 = vector.shape_cast %get3A_7 : vector<1x2000x128xf32> to vector<2000x128xf32>
    %add3A = arith.addf %get3A_3, %get3A_8 : vector<2000x128xf32>
    %swap3A = arith.constant 0 : index
    %swap3A_9 = arith.constant 0 : index
    %swap3A_10 = vector.load %arg2[%swap3A, %swap3A_9] : memref<2000x128xf32, #tpu.memory_space<vmem>>, vector<2000x128xf32>
    tpu.vector_store %arg2[%swap3A, %swap3A_9], %add3A {strides = array<i32>} : memref<2000x128xf32, #tpu.memory_space<vmem>>, vector<2000x128xf32>,
    return
  }
  func.func @transform_0(%arg0: i32) -> (i32, i32, i32) {
    %c0_i32 = arith.constant 0 : i32
    %c0_i32_0 = arith.constant 0 : i32
    %c0_i32_1 = arith.constant 0 : i32
    return %c0_i32, %arg0, %c0_i32_0 : i32, i32, i32
  }
  func.func @transform_1(%arg0: i32) -> (i32, i32) {
    %c0_i32 = arith.constant 0 : i32
    %c0_i32_0 = arith.constant 0 : i32
    return %arg0, %c0_i32 : i32, i32
  }
}

</mosaic_0001>

<sc_bundles>
// kernel: kernel.6.cloned.1.call-start
scs
__scs_entry_jumppad:
0x0: {  	(pc) =	sbr.rel $0x88, $3  }
0x1: {  	(tag) =	ssettag $0x0;
	lr =	simm.s32 $0x1  }
0x2: {  	[smem:$0x3F9A] =	sst lr;
	_ =	strace $0xD0000000  }
0x3: {  	_ = 	snop  }
0x4: {  	_ = 	snop  }
0x5: {  	_ = 	snop  }
0x6: {  	_ = 	snop  }
0x7: {  	_ = 	snop  }
__scs_overlays_trampoline_lowered:
0x8: {  	[smem:$0x3FA9] =	sst s0  }
0x9: {  	[smem:$0x3FAA] =	sst s1  }
0xa: {  	[smem:$0x3FAB] =	sst s2  }
0xb: {  	[smem:$0x3FAC] =	sst s3  }
0xc: {  	[smem:$0x3FAD] =	sst s4  }
0xd: {  	[smem:$0x3FAE] =	sst s5  }
0xe: {  	[smem:$0x3FAF] =	sst s6  }
0xf: {  	[smem:$0x3FB0] =	sst s7  }
0x10: {  	[smem:$0x3FB1] =	sst s8  }
0x11: {  	[smem:$0x3FB2] =	sst s9;
	s0 =	simm.s32 @!p0 $0x0  }
0x12: {  	s1 =	sld [smem:$0x3F98];
	s0 =	simm.s32 @p0 $0x1  }
0x13: {  	[smem:$0x3FB3] =	sst s0;
	s0 =	simm.s32 @!p1 $0x0  }
0x14: {  	s2 =	sld [smem:$0x3F97];
	s0 =	simm.s32 @p1 $0x1  }
0x15: {  	[smem:$0x3FB4] =	sst s0;
	s0 =	simm.s32 @!p2 $0x0  }
0x16: {  	s3 =	sld [smem:$0x3FDB];
	s0 =	simm.s32 @p2 $0x1  }
0x17: {  	s4 =	simm.s32 $0x1BF5;
	[smem:$0x3FB6] =	sst s0  }
0x18: {  	s0 =	sld [smem:$0x3F99];
	_ =	swait.ge [sflag:s4], $0x0  }
0x19: {  	s7 =	sld [smem:$0x3F9A]  }
0x1a: {  	s8 =	sadd.s32 $0xFFFFE003, lr  }
0x1b: {  	s9 =	sadd.s32 $0xFFFFFEF7, lr;
	s5 =	simm.s32 $0xFFFFFFFF;
	p2 =	slt.u32 s8, $0xFFFFF086  }
0x1c: {  	p1 =	slt.u32 s9, $0xF7A;
	s5 =	simm.s32 @!p2 $0x0  }
0x1d: {  	s5 =	simm.s32 @p1 $0x1;
	p0 =	seq.s32 s7, s2  }
0x1e: {  	s7 =	smul.u32 @!p0 $0xF7A, s2;
	p2 =	seq.s32 @!p0 s5, $0x0  }
0x1f: {  	s9 =	smul.u32 $0xF7A, s1;
	s8 =	simm.s32 @!p0 $0x1BF5;
	p2 =	por !p2, p0  }
0x20: {  	[sflag:s8] =	ssyncset.s32 @!p0 $0xFFFFF086;
	s6 =	sadd.s32 @!p0 s3, s7;
	s7 =	simm.s32 @!p0 $0x108  }
0x21: {  	s3 =	sadd.s32 s3, s9;
	s6 =	sadd.s32 @!p0 $0x88, s6;
	s7 =	simm.s32 @p2 $0x1082  }
0x22: {  	[simem:s7], [sflag:s8] =	dma.local @!p0 [hbm:s6], $0xF7A  }
0x23: {  	s9 =	sor.u32 $0xD0000000, s2;
	s6 =	simm.s32 $0x108;
	_ =	swait.ge @!p0 [sflag:s8], $0x0  }
0x24: {  	s3 =	sadd.s32 $0x88, s3;
	s6 =	simm.s32 @!p1 $0x1082;
	[sflag:s4] =	ssyncset.s32 $0xFFFFF086  }
0x25: {  	[simem:s6], [sflag:s4] =	dma.local [hbm:s3], $0xF7A  }
0x26: {  	[smem:$0x3F9A] =	sst s1;
	(tag) =	ssettag s2;
	_ =	strace s9  }
0x27: {  	s1 =	sld [smem:$0x3FAA]  }
0x28: {  	s2 =	sld [smem:$0x3FAB]  }
0x29: {  	s4 =	sld [smem:$0x3FAD]  }
0x2a: {  	p0 =	seq.s32 s5, $0x0;
	s5 =	sld [smem:$0x3FAE]  }
0x2b: {  	s6 =	sld [smem:$0x3FAF]  }
0x2c: {  	s7 =	sld [smem:$0x3FB0]  }
0x2d: {  	s3 =	simm.s32 $0x108;
	s8 =	sld [smem:$0x3FB1]  }
0x2e: {  	s3 =	simm.s32 @!p0 $0x1082;
	s9 =	sld [smem:$0x3FB2]  }
0x2f: {  	lr =	sadd.s32 s0, s3;
	s0 =	sld [smem:$0x3FA9]  }
0x30: {  	s3 =	sld [smem:$0x3FAC]  }
0x31: {  	[smem:$0x3FB5] =	sst s10  }
0x32: {  	s10 =	sld [smem:$0x3FB3];
	_ =	sdelay $0x3  }
0x33: {  	p0 =	seq.s32 s10, $0x1;
	s10 =	sld [smem:$0x3FB5];
	_ =	sdelay $0x3  }
0x34: {  	[smem:$0x3FB5] =	sst s10  }
0x35: {  	s10 =	sld [smem:$0x3FB4];
	_ =	sdelay $0x3  }
0x36: {  	p1 =	seq.s32 s10, $0x1;
	s10 =	sld [smem:$0x3FB5];
	_ =	sdelay $0x3  }
0x37: {  	[smem:$0x3FB5] =	sst s10  }
0x38: {  	s10 =	sld [smem:$0x3FB6]  }
0x39: {  	_ = 	snop;
	(pc) =	sbr.ind lr, $3  }
0x3a: {  	_ = 	snop  }
0x3b: {  	_ = 	snop  }
0x3c: {  	p2 =	seq.s32 s10, $0x1;
	s10 =	sld [smem:$0x3FB5]  }
0x3d: {  	_ =	shalt  }
0x3e: {  	_ =	shalt  }
0x3f: {  	_ =	shalt  }
0x40: {  	_ =	shalt  }
0x41: {  	_ =	shalt  }
0x42: {  	_ =	shalt  }
0x43: {  	_ =	shalt  }
0x44: {  	_ =	shalt  }
0x45: {  	_ =	shalt  }
0x46: {  	_ =	shalt  }
0x47: {  	_ =	shalt  }
0x48: {  	_ =	shalt  }
0x49: {  	_ =	shalt  }
0x4a: {  	_ =	shalt  }
0x4b: {  	_ =	shalt  }
0x4c: {  	_ =	shalt  }
0x4d: {  	_ =	shalt  }
0x4e: {  	_ =	shalt  }
0x4f: {  	_ =	shalt  }
0x50: {  	_ =	shalt  }
0x51: {  	_ =	shalt  }
0x52: {  	_ =	shalt  }
0x53: {  	_ =	shalt  }
0x54: {  	_ =	shalt  }
0x55: {  	_ =	shalt  }
0x56: {  	_ =	shalt  }
0x57: {  	_ =	shalt  }
0x58: {  	_ =	shalt  }
0x59: {  	_ =	shalt  }
0x5a: {  	_ =	shalt  }
0x5b: {  	_ =	shalt  }
0x5c: {  	_ =	shalt  }
0x5d: {  	_ =	shalt  }
0x5e: {  	_ =	shalt  }
0x5f: {  	_ =	shalt  }
0x60: {  	_ =	shalt  }
0x61: {  	_ =	shalt  }
0x62: {  	_ =	shalt  }
0x63: {  	_ =	shalt  }
0x64: {  	_ =	shalt  }
0x65: {  	_ =	shalt  }
0x66: {  	_ =	shalt  }
0x67: {  	_ =	shalt  }
0x68: {  	_ =	shalt  }
0x69: {  	_ =	shalt  }
0x6a: {  	_ =	shalt  }
0x6b: {  	_ =	shalt  }
0x6c: {  	_ =	shalt  }
0x6d: {  	_ =	shalt  }
0x6e: {  	_ =	shalt  }
0x6f: {  	_ =	shalt  }
0x70: {  	_ =	shalt  }
0x71: {  	_ =	shalt  }
0x72: {  	_ =	shalt  }
0x73: {  	_ =	shalt  }
0x74: {  	_ =	shalt  }
0x75: {  	_ =	shalt  }
0x76: {  	_ =	shalt  }
0x77: {  	_ =	shalt  }
0x78: {  	_ =	shalt  }
0x79: {  	_ =	shalt  }
0x7a: {  	_ =	shalt  }
0x7b: {  	_ =	shalt  }
0x7c: {  	_ =	shalt  }
0x7d: {  	_ =	shalt  }
0x7e: {  	_ =	shalt  }
0x7f: {  	_ =	shalt  }
0x80: {  	_ =	shalt  }
0x81: {  	_ =	shalt  }
0x82: {  	_ =	shalt  }
0x83: {  	_ =	shalt  }
0x84: {  	_ =	shalt  }
0x85: {  	_ =	shalt  }
0x86: {  	_ =	shalt  }
0x87: {  	_ =	shalt  }
.Lfunc_end0:
.L_simem_size_0:
called_computation_lowered:
.L_overlay_start_0:
0x88: {  	s2 =	sld [smem:$0x3FD9]  }
0x89: {  	s3 =	sld [smem:$0x3FFE];
	_ =	sdelay $0x1  }
0x8a: {  	s1 =	srdreg.scid  }
0x8b: {  	s0 =	sand.u32 $0x1, s1  }
0x8c: {  	s17 =	sshll.u32 s0, $0xA;
	s2 =	sadd.s32 s3, s2  }
0x8d: {  	s2 =	sadd.s32 s2, s17  }
0x8e: {  	[smem:$0x3FC1] =	sst s2  }
0x8f: {  	_ = 	snop  }
0x90: {  	s2 =	sld [smem:$0x3FD0];
	(tm) =	ssettm $0x1  }
0x91: {  	s18 =	sld [smem:$0x3FFB];
	_ =	sdelay $0x3  }
0x92: {  	_ =	strace s18  }
0x93: {  	s3 =	sld [smem:$0x3FFC];
	_ =	sdelay $0x3  }
0x94: {  	_ =	strace s3  }
0x95: {  	s3 =	sld [smem:$0x3FFD];
	_ =	sdelay $0x3  }
0x96: {  	_ =	strace s3  }
0x97: {  	_ =	strace $0x8FFFFFFF  }
0x98: {  	s19 =	sld [smem:$0x3FDB];
	_ =	sdelay $0x1  }
0x99: {  	s4 =	simm.s32 $_scs_section_size  }
0x9a: {  	s5 =	simm.s32 $_size__tile_overlayer_lowered;
	s6 =	simm.s32 $_tile_overlayer_lowered  }
0x9b: {  	s22 =	simm.s32 $0x1BFF;
	s21 =	sshll.u32 s6, $0x1;
	s3 =	sadd.s32 s4, s19  }
0x9c: {  	s7 =	simm.s32 $0x0;
	s20 =	sshll.u32 s5, $0x1;
	s5 =	sadd.s32 s21, s3  }
0x9d: {  	[timem:s7], [sflag:s22] =	dma.local [hbm:s5], s20  }
0x9e: {  	_ =	swait.ge [sflag:s22], s20  }
0x9f: {  	s4 =	ssub.s32 $0x0, s20;
	[sflag:s22] =	ssyncset.done $0x0  }
0xa0: {  	[sflag:s22] =	ssyncadd.s32 s4;
	_ =	sdelay $0x1  }
0xa1: {  	s23 =	simm.s32 $0x1B8B  }
0xa2: {  	_ =	swait.ge [sflag:s23], $0x1  }
0xa3: {  	[sflag:s23] =	ssyncset.done $0x0  }
0xa4: {  	s25 =	simm.s32 $0x1B8E;
	s24 =	sld [smem:$0x3FFE];
	[sflag:s23] =	ssyncadd.s32 $0xFFFFFFFF  }
0xa5: {  	s26 =	simm.s32 $execute0_lowered;
	[smem:$0x3FD2] =	sst s25  }
0xa6: {  	s5 =	sshll.u32 s26, $0x1;
	_ =	strace $0x80000046;
	[dreg:$0x1] =	wrdreg $0xFFFFFFFF  }
0xa7: {  	s28 =	simm.s32 $_size_execute0_lowered;
	s3 =	sadd.s32 s3, s5;
	[dreg:$0x0] =	wrdreg $0x0  }
0xa8: {  	s5 =	sshll.u32 s28, $0x1;
	[dreg:$0x2] =	wrdreg s3  }
0xa9: {  	[dreg:$0x3] =	wrdreg s5  }
0xaa: {  	[dreg:$0x4] =	wrdreg $0xC0  }
0xab: {  	_ =	task [dreg:s7], $0x5FFFF  }
0xac: {  	[dreg:$0x1] =	wrdreg $0xFFFFFFFF  }
0xad: {  	[dreg:$0x0] =	wrdreg $0x60  }
0xae: {  	[dreg:$0x2] =	wrdreg s24  }
0xaf: {  	[dreg:$0x3] =	wrdreg s2  }
0xb0: {  	[dreg:$0x4] =	wrdreg $0x9  }
0xb1: {  	_ =	task.clear_ibuf [dreg:s7], $0x5FFFF;
	_ =	strace $0x90000046  }
0xb2: {  	s29 =	simm.s32 $0x9;
	_ =	strace $0x80000048  }
0xb3: {  	_ =	swait.ge [sflag:s29], $0x1  }
0xb4: {  	[sflag:s29] =	ssyncadd.s32 $0xFFFFFFFF  }
0xb5: {  	_ =	strace $0x90000048  }
0xb6: {  	_ =	sfence  }
0xb7: {  	s30 =	sld [smem:$0x0];
	_ =	sdelay $0x2  }
0xb8: {  	s31 =	sshll.u32 s1, $0xD;
	s1 =	sshrl.u32 s1, $0x2  }
0xb9: {  	s3 =	sand.u32 $0x4000, s31;
	s1 =	sadd.s32 s1, s30  }
0xba: {  	s0 =	sor.u32 s3, s0;
	s1 =	sshll.u32 s1, $0x11  }
0xbb: {  	s0 =	sor.u32 s1, s0  }
0xbc: {  	s0 =	sadd.s32 $0x8F2B, s0  }
0xbd: {  	[sflag:s0] =	ssyncadd.remote.s32 $0x1  }
0xbe: {  	_ =	sfence.sel $0xFFFF  }
0xbf: {  	[dreg:$0x0] =	wrdreg $0xFFFFFFFF;
	(pc) =	sbr.abs _section_cstart, $3  }
0xc0: {  	[dreg:$0x1] =	wrdreg $0xFFFFFFFF  }
0xc1: {  	_ =	task.clear_ibuf [dreg:s7], $0x2FFFF;
	_ =	strace $0x9FFFFFFF  }
0xc2: {  	(tm) =	ssettm $0x7FFFFFFF  }
0xc3: {  	_ =	shalt  }
tec
execute0_lowered:
.L_overlay_start_1:
0x0: {  	(tag) =	ssettag $0x1  }
0x1: {  	s1 =	rddreg [dreg:$0x0]  }
0x2: {  	s9 =	rddreg [dreg:$0x1];
	s3 =	srdreg.scid  }
0x3: {  	s0 =	rddreg [dreg:$0x2];
	s2 =	simm.s32 $0x0;
	s14 =	simm.s32 $0x4F00  }
0x4: {  	s15 =	simm.s32 $0x7680;
	s16 =	simm.s32 $0x2;
	s17 =	simm.s32 $0x7700  }
0x5: {  	s18 =	simm.s32 $0x7780;
	s19 =	simm.s32 $0x7800;
	s20 =	simm.s32 $0x0  }
0x6: {  	s6 =	sand.u32 $0x1, s3;
	[smem:$0x7FF] =	sst s2;
	s4 =	sadd.s32 $0xC00, s1  }
0x7: {  	s3 =	stileid.u32;
	s5 =	sadd.s32 $0x600, s1;
	s10 =	sshll.u32 s6, $0x7  }
0x8: {  	_ =	strace $0x80000047;
	s8 =	ssub.s32 $0x2, s6;
	s31 =	sshll.u32 s3, $0x3  }
.Ltmp0:
0x9: {  	s12 =	sshll.u32 s6, $0x4;
	s11 =	sshrl.u32 s8, $0x1;
	(pc) =	sbr.rel .LBB2_1-.Ltmp0, $4  }
0xa: {  	s7 =	sadd.s32 s10, s1;
	s9 =	sadd.s32 s10, s9;
	s8 =	ssub.s32 s8, s11  }
0xb: {  	s13 =	sadd.s32 s31, s7;
	s9 =	sadd.s32 s31, s9;
	s11 =	sor.u32 s12, s3  }
0xc: {  	s12 =	simm.s32 $0x1;
	s6 =	smax.u32 s8, $0x1;
	s7 =	sadd.s32 $0x14E00, s13  }
0xd: {  	s8 =	sadd.s32 $0xB000, s13;
	s10 =	sadd.s32 $0x1200, s13;
	s13 =	simm.s32 $0x2780  }
.LBB2_5:
0xe: {  	s20 =	sadd.s32 $0x1, s20  }
0xf: {  	p0 =	sne.s32 s20, s6  }
.Ltmp1:
0x10: {  	_ = 	snop;
	(pc) =	sbr.rel @!p0 .LBB2_6-.Ltmp1, $1  }
0x11: {  	_ =	sdelay $0x3  }
.LBB2_1:
0x12: {  	[tilespmem:s2], [sflag:$0x1] =	stream.linear.gather [hbm4b:s4+s2], $0x2780, $0x38;
	[tilespmem:$0x7880] =	vst v63  }
0x13: {  	_ =	swait.ge [sflag:s12], $0x2780  }
0x14: {  	[sflag:s12] =	ssyncset.done $0x0  }
0x15: {  	[sflag:s12] =	ssyncadd.s32 $0xFFFFD880  }
0x16: {  	[tilespmem:s13], [sflag:$0x1] =	stream.linear.gather [hbm4b:s5+s2], $0x2780, $0x38;
	[tilespmem:$0x7880] =	vst v63  }
0x17: {  	_ =	swait.ge [sflag:s12], $0x2780  }
0x18: {  	[sflag:s12] =	ssyncset.done $0x0  }
.Ltmp2:
0x19: {  	[sflag:s12] =	ssyncadd.s32 $0xFFFFD880;
	(pc) =	sbr.rel .LBB2_2-.Ltmp2, $4  }
0x1a: {  	[tilespmem:s14], [sflag:$0x1] =	stream.linear.gather [hbm4b:s1+s2], $0x2780, $0x38;
	[tilespmem:$0x7880] =	vst v63  }
0x1b: {  	_ =	swait.ge [sflag:s12], $0x2780  }
0x1c: {  	[sflag:s12] =	ssyncset.done $0x0  }
0x1d: {  	s21 =	smov.u32 s11;
	s22 =	simm.s32 $0x0;
	[sflag:s12] =	ssyncadd.s32 $0xFFFFD880  }
.LBB2_4:
0x1e: {  	s22 =	sadd.s32 $0x100, s22  }
0x1f: {  	p0 =	sne.s32 s22, $0x9D00  }
.Ltmp3:
0x20: {  	_ = 	snop;
	(pc) =	sbr.rel @!p0 .LBB2_5-.Ltmp3, $2  }
0x21: {  	_ =	sdelay $0x2  }
0x22: {  	s21 =	sadd.s32 $0x20, s21  }
.LBB2_2:
0x23: {  	p0 =	sgt.u32 s21, $0x1387  }
.Ltmp4:
0x24: {  	_ = 	snop;
	(pc) =	sbr.rel @p0 .LBB2_4-.Ltmp4, $1  }
0x25: {  	_ =	sdelay $0x3  }
0x26: {  	s23 =	sadd.s32 s22, s10  }
0x27: {  	[tilespmem:s15], [sflag:$0x2] =	stream.linear.gather [hbm4b:s23+s2], $0x40, $0x38;
	[tilespmem:$0x7880] =	vst v63  }
0x28: {  	_ =	swait.ge [sflag:s16], $0x40  }
0x29: {  	[sflag:s16] =	ssyncset.done $0x0  }
0x2a: {  	s29 =	sadd.s32 s22, s9;
	[sflag:s16] =	ssyncadd.s32 $0xFFFFFFC0  }
0x2b: {  	[tilespmem:s17], [sflag:$0x2] =	stream.linear.gather [hbm4b:s29+s2], $0x40, $0x38;
	[tilespmem:$0x7880] =	vst v63  }
0x2c: {  	_ =	swait.ge [sflag:s16], $0x40  }
0x2d: {  	[sflag:s16] =	ssyncset.done $0x0  }
0x2e: {  	[sflag:s16] =	ssyncadd.s32 $0xFFFFFFC0  }
0x2f: {  	v0 =	vld [tilespmem:$0x7680]  }
0x30: {  	v1 =	vld [tilespmem:$0x7700];
	_ =	sdelay $0x6  }
0x31: {  	v2 =	vld.idx.msk [tilespmem:v0+s2+$0x0], $0xffff  }
0x32: {  	v3 =	vld.idx.msk [tilespmem:v1+s2+$0x0], $0xffff  }
0x33: {  	v4 =	vld.idx.msk [tilespmem:v0+s13+$0x0], $0xffff  }
0x34: {  	v5 =	vld.idx.msk [tilespmem:v1+s13+$0x0], $0xffff  }
0x35: {  	v0 =	vld.idx.msk [tilespmem:v0+s14+$0x0], $0xffff  }
0x36: {  	v1 =	vld.idx.msk [tilespmem:v1+s14+$0x0], $0xffff;
	_ =	sdelay $0x2  }
0x37: {  	v2 =	vsub.f32 v2, v3;
	v23 =	vsub.f32 v4, v5;
	_ =	sdelay $0x1  }
0x38: {  	v0 =	vsub.f32 v0, v1;
	v24 =	vmul.f32 v2, v2;
	v25 =	vmul.f32 v23, v23;
	_ =	sdelay $0x1  }
0x39: {  	v0 =	vmul.f32 v0, v0;
	v1 =	vadd.f32 v25, v24;
	_ =	sdelay $0x1  }
0x3a: {  	v0 =	vadd.f32 v0, v1;
	_ =	sdelay $0x1  }
0x3b: {  	v0 =	vadd.f32 $9.999999960e-13, v0;
	_ =	sdelay $0x1  }
0x3c: {  	v26 =	vshra.s32 v0, $0x1;
	v27 =	vmul.f32 $5.000000000e-01, v0  }
0x3d: {  	v1 =	vsub.s32 $0x5F3759DF, v26  }
0x3e: {  	v28 =	vmul.f32 v1, v27;
	_ =	sdelay $0x1  }
0x3f: {  	v3 =	vmul.f32 v1, v28;
	_ =	sdelay $0x1  }
0x40: {  	v3 =	vsub.f32 $1.500000000e+00, v3;
	_ =	sdelay $0x1  }
0x41: {  	v1 =	vmul.f32 v1, v3;
	_ =	sdelay $0x1  }
0x42: {  	v2 =	vmul.f32 v1, v27;
	_ =	sdelay $0x1  }
0x43: {  	v2 =	vmul.f32 v2, v1;
	_ =	sdelay $0x1  }
0x44: {  	v2 =	vsub.f32 $1.500000000e+00, v2;
	_ =	sdelay $0x1  }
0x45: {  	v1 =	vmul.f32 v2, v1;
	_ =	sdelay $0x1  }
0x46: {  	v0 =	vmul.f32 v1, v0;
	_ =	sdelay $0x1  }
0x47: {  	v0 =	vmul.f32 $1.024000020e+02, v0;
	_ =	sdelay $0x1  }
0x48: {  	v29 =	vtrunc.f32 v0  }
0x49: {  	v1 =	vcvt.f32.s32 v29  }
0x4a: {  	v30 =	vld [tilespmem:$0x7690]  }
0x4b: {  	v31 =	vld [tilespmem:$0x7710];
	vm0 =	vlt.s32 v1, $0x200  }
0x4c: {  	v1 =	vnsel vm0, $0x200, v1  }
0x4d: {  	v32 =	vcvt.s32.f32 v1;
	_ =	sdelay $0x1  }
0x4e: {  	v0 =	vsub.f32 v0, v32  }
0x4f: {  	[tilespmem:$0x7780] =	vst v1  }
0x50: {  	[tilespmem:$0x7800] =	vst v0  }
0x51: {  	v0 =	vld.idx.msk [tilespmem:v30+s2+$0x0], $0xffff  }
0x52: {  	v1 =	vld.idx.msk [tilespmem:v31+s2+$0x0], $0xffff  }
0x53: {  	v33 =	vld.idx.msk [tilespmem:v30+s13+$0x0], $0xffff  }
0x54: {  	v34 =	vld.idx.msk [tilespmem:v31+s13+$0x0], $0xffff  }
0x55: {  	v2 =	vld.idx.msk [tilespmem:v30+s14+$0x0], $0xffff  }
0x56: {  	v3 =	vld.idx.msk [tilespmem:v31+s14+$0x0], $0xffff;
	_ =	sdelay $0x2  }
0x57: {  	v0 =	vsub.f32 v0, v1;
	v35 =	vsub.f32 v33, v34;
	_ =	sdelay $0x1  }
0x58: {  	v2 =	vsub.f32 v2, v3;
	v0 =	vmul.f32 v0, v0;
	v1 =	vmul.f32 v35, v35;
	_ =	sdelay $0x1  }
0x59: {  	v36 =	vmul.f32 v2, v2;
	v0 =	vadd.f32 v1, v0;
	_ =	sdelay $0x1  }
0x5a: {  	v0 =	vadd.f32 v36, v0;
	_ =	sdelay $0x1  }
0x5b: {  	v0 =	vadd.f32 $9.999999960e-13, v0;
	_ =	sdelay $0x1  }
0x5c: {  	v37 =	vshra.s32 v0, $0x1;
	v38 =	vmul.f32 $5.000000000e-01, v0  }
0x5d: {  	v1 =	vsub.s32 $0x5F3759DF, v37  }
0x5e: {  	v39 =	vmul.f32 v1, v38;
	_ =	sdelay $0x1  }
0x5f: {  	v3 =	vmul.f32 v1, v39;
	_ =	sdelay $0x1  }
0x60: {  	v3 =	vsub.f32 $1.500000000e+00, v3;
	_ =	sdelay $0x1  }
0x61: {  	v1 =	vmul.f32 v1, v3;
	_ =	sdelay $0x1  }
0x62: {  	v2 =	vmul.f32 v1, v38;
	_ =	sdelay $0x1  }
0x63: {  	v2 =	vmul.f32 v2, v1;
	_ =	sdelay $0x1  }
0x64: {  	v2 =	vsub.f32 $1.500000000e+00, v2;
	_ =	sdelay $0x1  }
0x65: {  	v1 =	vmul.f32 v2, v1;
	_ =	sdelay $0x1  }
0x66: {  	v0 =	vmul.f32 v1, v0;
	_ =	sdelay $0x1  }
0x67: {  	v0 =	vmul.f32 $1.024000020e+02, v0;
	_ =	sdelay $0x1  }
0x68: {  	v40 =	vtrunc.f32 v0  }
0x69: {  	v1 =	vcvt.f32.s32 v40  }
0x6a: {  	v41 =	vld [tilespmem:$0x76A0]  }
0x6b: {  	v42 =	vld [tilespmem:$0x7720];
	vm13 =	vlt.s32 v1, $0x200  }
0x6c: {  	v1 =	vnsel vm13, $0x200, v1  }
0x6d: {  	v43 =	vcvt.s32.f32 v1;
	_ =	sdelay $0x1  }
0x6e: {  	v0 =	vsub.f32 v0, v43  }
0x6f: {  	[tilespmem:$0x7790] =	vst v1  }
0x70: {  	[tilespmem:$0x7810] =	vst v0  }
0x71: {  	v0 =	vld.idx.msk [tilespmem:v41+s2+$0x0], $0xffff  }
0x72: {  	v1 =	vld.idx.msk [tilespmem:v42+s2+$0x0], $0xffff  }
0x73: {  	v44 =	vld.idx.msk [tilespmem:v41+s13+$0x0], $0xffff  }
0x74: {  	v45 =	vld.idx.msk [tilespmem:v42+s13+$0x0], $0xffff  }
0x75: {  	v2 =	vld.idx.msk [tilespmem:v41+s14+$0x0], $0xffff  }
0x76: {  	v3 =	vld.idx.msk [tilespmem:v42+s14+$0x0], $0xffff;
	_ =	sdelay $0x2  }
0x77: {  	v0 =	vsub.f32 v0, v1;
	v46 =	vsub.f32 v44, v45;
	_ =	sdelay $0x1  }
0x78: {  	v2 =	vsub.f32 v2, v3;
	v0 =	vmul.f32 v0, v0;
	v1 =	vmul.f32 v46, v46;
	_ =	sdelay $0x1  }
0x79: {  	v47 =	vmul.f32 v2, v2;
	v0 =	vadd.f32 v1, v0;
	_ =	sdelay $0x1  }
0x7a: {  	v0 =	vadd.f32 v47, v0;
	_ =	sdelay $0x1  }
0x7b: {  	v0 =	vadd.f32 $9.999999960e-13, v0;
	_ =	sdelay $0x1  }
0x7c: {  	v48 =	vshra.s32 v0, $0x1;
	v49 =	vmul.f32 $5.000000000e-01, v0  }
0x7d: {  	v1 =	vsub.s32 $0x5F3759DF, v48  }
0x7e: {  	v50 =	vmul.f32 v1, v49;
	_ =	sdelay $0x1  }
0x7f: {  	v3 =	vmul.f32 v1, v50;
	_ =	sdelay $0x1  }
0x80: {  	v3 =	vsub.f32 $1.500000000e+00, v3;
	_ =	sdelay $0x1  }
0x81: {  	v1 =	vmul.f32 v1, v3;
	_ =	sdelay $0x1  }
0x82: {  	v2 =	vmul.f32 v1, v49;
	_ =	sdelay $0x1  }
0x83: {  	v2 =	vmul.f32 v2, v1;
	_ =	sdelay $0x1  }
0x84: {  	v2 =	vsub.f32 $1.500000000e+00, v2;
	_ =	sdelay $0x1  }
0x85: {  	v1 =	vmul.f32 v2, v1;
	_ =	sdelay $0x1  }
0x86: {  	v0 =	vmul.f32 v1, v0;
	_ =	sdelay $0x1  }
0x87: {  	v0 =	vmul.f32 $1.024000020e+02, v0;
	_ =	sdelay $0x1  }
0x88: {  	v51 =	vtrunc.f32 v0  }
0x89: {  	v1 =	vcvt.f32.s32 v51  }
0x8a: {  	v52 =	vld [tilespmem:$0x76B0]  }
0x8b: {  	v53 =	vld [tilespmem:$0x7730];
	vm14 =	vlt.s32 v1, $0x200  }
0x8c: {  	v1 =	vnsel vm14, $0x200, v1  }
0x8d: {  	v54 =	vcvt.s32.f32 v1;
	_ =	sdelay $0x1  }
0x8e: {  	v0 =	vsub.f32 v0, v54  }
0x8f: {  	[tilespmem:$0x77A0] =	vst v1  }
0x90: {  	[tilespmem:$0x7820] =	vst v0  }
0x91: {  	v0 =	vld.idx.msk [tilespmem:v52+s2+$0x0], $0xffff  }
0x92: {  	v1 =	vld.idx.msk [tilespmem:v53+s2+$0x0], $0xffff  }
0x93: {  	v55 =	vld.idx.msk [tilespmem:v52+s13+$0x0], $0xffff  }
0x94: {  	v56 =	vld.idx.msk [tilespmem:v53+s13+$0x0], $0xffff  }
0x95: {  	v2 =	vld.idx.msk [tilespmem:v52+s14+$0x0], $0xffff  }
0x96: {  	v3 =	vld.idx.msk [tilespmem:v53+s14+$0x0], $0xffff;
	_ =	sdelay $0x2  }
0x97: {  	v0 =	vsub.f32 v0, v1;
	v57 =	vsub.f32 v55, v56;
	_ =	sdelay $0x1  }
0x98: {  	v2 =	vsub.f32 v2, v3;
	v0 =	vmul.f32 v0, v0;
	v1 =	vmul.f32 v57, v57;
	_ =	sdelay $0x1  }
0x99: {  	v58 =	vmul.f32 v2, v2;
	v0 =	vadd.f32 v1, v0;
	_ =	sdelay $0x1  }
0x9a: {  	v0 =	vadd.f32 v58, v0;
	_ =	sdelay $0x1  }
0x9b: {  	v0 =	vadd.f32 $9.999999960e-13, v0;
	_ =	sdelay $0x1  }
0x9c: {  	v59 =	vshra.s32 v0, $0x1;
	v60 =	vmul.f32 $5.000000000e-01, v0  }
0x9d: {  	v1 =	vsub.s32 $0x5F3759DF, v59  }
0x9e: {  	v61 =	vmul.f32 v1, v60;
	_ =	sdelay $0x1  }
0x9f: {  	v3 =	vmul.f32 v1, v61;
	_ =	sdelay $0x1  }
0xa0: {  	v3 =	vsub.f32 $1.500000000e+00, v3;
	_ =	sdelay $0x1  }
0xa1: {  	v1 =	vmul.f32 v1, v3;
	_ =	sdelay $0x1  }
0xa2: {  	v2 =	vmul.f32 v1, v60;
	_ =	sdelay $0x1  }
0xa3: {  	v2 =	vmul.f32 v2, v1;
	_ =	sdelay $0x1  }
0xa4: {  	v2 =	vsub.f32 $1.500000000e+00, v2;
	_ =	sdelay $0x1  }
0xa5: {  	v1 =	vmul.f32 v2, v1;
	_ =	sdelay $0x1  }
0xa6: {  	v0 =	vmul.f32 v1, v0;
	_ =	sdelay $0x1  }
0xa7: {  	v0 =	vmul.f32 $1.024000020e+02, v0;
	_ =	sdelay $0x1  }
0xa8: {  	v62 =	vtrunc.f32 v0  }
0xa9: {  	v1 =	vcvt.f32.s32 v62;
	_ =	sdelay $0x1  }
0xaa: {  	vm15 =	vlt.s32 v1, $0x200  }
0xab: {  	v1 =	vnsel vm15, $0x200, v1  }
0xac: {  	v63 =	vcvt.s32.f32 v1;
	_ =	sdelay $0x1  }
0xad: {  	v0 =	vsub.f32 v0, v63  }
0xae: {  	[tilespmem:$0x77B0] =	vst v1  }
0xaf: {  	s30 =	sadd.s32 s22, s8;
	[tilespmem:$0x7830] =	vst v0  }
0xb0: {  	[hbm4b:s30+s2] =	stream.linear.scatter [tilespmem:s18], [sflag:$0x2], $0x40, $0x38;
	[tilespmem:$0x7880] =	vst v63  }
0xb1: {  	_ =	swait.ge [sflag:s16], $0x40  }
0xb2: {  	[sflag:s16] =	ssyncset.done $0x0  }
.Ltmp5:
0xb3: {  	s31 =	sadd.s32 s22, s7;
	[sflag:s16] =	ssyncadd.s32 $0xFFFFFFC0;
	(pc) =	sbr.rel .LBB2_4-.Ltmp5, $4  }
0xb4: {  	[hbm4b:s31+s2] =	stream.linear.scatter [tilespmem:s19], [sflag:$0x1], $0x40, $0x38;
	[tilespmem:$0x7880] =	vst v63  }
0xb5: {  	_ =	swait.ge [sflag:s12], $0x40  }
0xb6: {  	[sflag:s12] =	ssyncset.done $0x0  }
0xb7: {  	[sflag:s12] =	ssyncadd.s32 $0xFFFFFFC0  }
.LBB2_6:
0xb8: {  	_ =	sfence.sel $0x180000  }
0xb9: {  	[bflag:$0x0] =	sbarrier.arrive $0xFFFF  }
0xba: {  	p0 =	sne.s32 s3, $0x0;
	_ =	strace $0x90000047  }
0xbb: {  	s0 =	sadd.s32 @!p0 $0x100000, s0;
	[bflag:$0x2] =	sbarrier.arrive $0xFFFF  }
0xbc: {  	[sflag:s0] =	ssyncadd.tile.s32 @!p0 $0x1;
	_ =	shalt  }
.Lfunc_end2:
_tile_overlayer_lowered:
.L_overlay_start_2:
0xbd: {  	(tag) =	ssettag $0x2  }
0xbe: {  	s0 =	rddreg [dreg:$0x0];
	s2 =	stileid.u32  }
0xbf: {  	s1 =	rddreg [dreg:$0x1];
	p0 =	sne.s32 s2, $0x0  }
0xc0: {  	s3 =	rddreg [dreg:$0x2];
	[bflag:$0x3] =	sbarrier.arrive $0xFFFF;
	s2 =	simm.s32 @!p0 $0x1C01  }
0xc1: {  	[timem:s3], [sflag:s2] =	dma.local @!p0 [hbm:s0], s1  }
0xc2: {  	s0 =	simm.s32 @!p0 $0x1  }
0xc3: {  	_ =	swait.ge @!p0 [sflag:s0], s1  }
0xc4: {  	s1 =	ssub.s32 @!p0 $0x0, s1;
	[sflag:s0] =	ssyncset.done @!p0 $0x0  }
0xc5: {  	[sflag:s0] =	ssyncadd.s32 @!p0 s1  }
0xc6: {  	[bflag:$0x3] =	sbarrier.arrive $0xFFFF  }
0xc7: {  	_ =	shalt  }

// kernel: kernel.9.cloned.1.call-start
scs
__scs_entry_jumppad:
0x0: {  	(pc) =	sbr.rel $0x88, $3  }
0x1: {  	(tag) =	ssettag $0x0;
	lr =	simm.s32 $0x1  }
0x2: {  	[smem:$0x3F9A] =	sst lr;
	_ =	strace $0xD0000000  }
0x3: {  	_ = 	snop  }
0x4: {  	_ = 	snop  }
0x5: {  	_ = 	snop  }
0x6: {  	_ = 	snop  }
0x7: {  	_ = 	snop  }
__scs_overlays_trampoline_lowered:
0x8: {  	[smem:$0x3FA9] =	sst s0  }
0x9: {  	[smem:$0x3FAA] =	sst s1  }
0xa: {  	[smem:$0x3FAB] =	sst s2  }
0xb: {  	[smem:$0x3FAC] =	sst s3  }
0xc: {  	[smem:$0x3FAD] =	sst s4  }
0xd: {  	[smem:$0x3FAE] =	sst s5  }
0xe: {  	[smem:$0x3FAF] =	sst s6  }
0xf: {  	[smem:$0x3FB0] =	sst s7  }
0x10: {  	[smem:$0x3FB1] =	sst s8  }
0x11: {  	[smem:$0x3FB2] =	sst s9;
	s0 =	simm.s32 @!p0 $0x0  }
0x12: {  	s1 =	sld [smem:$0x3F98];
	s0 =	simm.s32 @p0 $0x1  }
0x13: {  	[smem:$0x3FB3] =	sst s0;
	s0 =	simm.s32 @!p1 $0x0  }
0x14: {  	s2 =	sld [smem:$0x3F97];
	s0 =	simm.s32 @p1 $0x1  }
0x15: {  	[smem:$0x3FB4] =	sst s0;
	s0 =	simm.s32 @!p2 $0x0  }
0x16: {  	s3 =	sld [smem:$0x3FDB];
	s0 =	simm.s32 @p2 $0x1  }
0x17: {  	s4 =	simm.s32 $0x1BF5;
	[smem:$0x3FB6] =	sst s0  }
0x18: {  	s0 =	sld [smem:$0x3F99];
	_ =	swait.ge [sflag:s4], $0x0  }
0x19: {  	s7 =	sld [smem:$0x3F9A]  }
0x1a: {  	s8 =	sadd.s32 $0xFFFFE003, lr  }
0x1b: {  	s9 =	sadd.s32 $0xFFFFFEF7, lr;
	s5 =	simm.s32 $0xFFFFFFFF;
	p2 =	slt.u32 s8, $0xFFFFF086  }
0x1c: {  	p1 =	slt.u32 s9, $0xF7A;
	s5 =	simm.s32 @!p2 $0x0  }
0x1d: {  	s5 =	simm.s32 @p1 $0x1;
	p0 =	seq.s32 s7, s2  }
0x1e: {  	s7 =	smul.u32 @!p0 $0xF7A, s2;
	p2 =	seq.s32 @!p0 s5, $0x0  }
0x1f: {  	s9 =	smul.u32 $0xF7A, s1;
	s8 =	simm.s32 @!p0 $0x1BF5;
	p2 =	por !p2, p0  }
0x20: {  	[sflag:s8] =	ssyncset.s32 @!p0 $0xFFFFF086;
	s6 =	sadd.s32 @!p0 s3, s7;
	s7 =	simm.s32 @!p0 $0x108  }
0x21: {  	s3 =	sadd.s32 s3, s9;
	s6 =	sadd.s32 @!p0 $0x88, s6;
	s7 =	simm.s32 @p2 $0x1082  }
0x22: {  	[simem:s7], [sflag:s8] =	dma.local @!p0 [hbm:s6], $0xF7A  }
0x23: {  	s9 =	sor.u32 $0xD0000000, s2;
	s6 =	simm.s32 $0x108;
	_ =	swait.ge @!p0 [sflag:s8], $0x0  }
0x24: {  	s3 =	sadd.s32 $0x88, s3;
	s6 =	simm.s32 @!p1 $0x1082;
	[sflag:s4] =	ssyncset.s32 $0xFFFFF086  }
0x25: {  	[simem:s6], [sflag:s4] =	dma.local [hbm:s3], $0xF7A  }
0x26: {  	[smem:$0x3F9A] =	sst s1;
	(tag) =	ssettag s2;
	_ =	strace s9  }
0x27: {  	s1 =	sld [smem:$0x3FAA]  }
0x28: {  	s2 =	sld [smem:$0x3FAB]  }
0x29: {  	s4 =	sld [smem:$0x3FAD]  }
0x2a: {  	p0 =	seq.s32 s5, $0x0;
	s5 =	sld [smem:$0x3FAE]  }
0x2b: {  	s6 =	sld [smem:$0x3FAF]  }
0x2c: {  	s7 =	sld [smem:$0x3FB0]  }
0x2d: {  	s3 =	simm.s32 $0x108;
	s8 =	sld [smem:$0x3FB1]  }
0x2e: {  	s3 =	simm.s32 @!p0 $0x1082;
	s9 =	sld [smem:$0x3FB2]  }
0x2f: {  	lr =	sadd.s32 s0, s3;
	s0 =	sld [smem:$0x3FA9]  }
0x30: {  	s3 =	sld [smem:$0x3FAC]  }
0x31: {  	[smem:$0x3FB5] =	sst s10  }
0x32: {  	s10 =	sld [smem:$0x3FB3];
	_ =	sdelay $0x3  }
0x33: {  	p0 =	seq.s32 s10, $0x1;
	s10 =	sld [smem:$0x3FB5];
	_ =	sdelay $0x3  }
0x34: {  	[smem:$0x3FB5] =	sst s10  }
0x35: {  	s10 =	sld [smem:$0x3FB4];
	_ =	sdelay $0x3  }
0x36: {  	p1 =	seq.s32 s10, $0x1;
	s10 =	sld [smem:$0x3FB5];
	_ =	sdelay $0x3  }
0x37: {  	[smem:$0x3FB5] =	sst s10  }
0x38: {  	s10 =	sld [smem:$0x3FB6]  }
0x39: {  	_ = 	snop;
	(pc) =	sbr.ind lr, $3  }
0x3a: {  	_ = 	snop  }
0x3b: {  	_ = 	snop  }
0x3c: {  	p2 =	seq.s32 s10, $0x1;
	s10 =	sld [smem:$0x3FB5]  }
0x3d: {  	_ =	shalt  }
0x3e: {  	_ =	shalt  }
0x3f: {  	_ =	shalt  }
0x40: {  	_ =	shalt  }
0x41: {  	_ =	shalt  }
0x42: {  	_ =	shalt  }
0x43: {  	_ =	shalt  }
0x44: {  	_ =	shalt  }
0x45: {  	_ =	shalt  }
0x46: {  	_ =	shalt  }
0x47: {  	_ =	shalt  }
0x48: {  	_ =	shalt  }
0x49: {  	_ =	shalt  }
0x4a: {  	_ =	shalt  }
0x4b: {  	_ =	shalt  }
0x4c: {  	_ =	shalt  }
0x4d: {  	_ =	shalt  }
0x4e: {  	_ =	shalt  }
0x4f: {  	_ =	shalt  }
0x50: {  	_ =	shalt  }
0x51: {  	_ =	shalt  }
0x52: {  	_ =	shalt  }
0x53: {  	_ =	shalt  }
0x54: {  	_ =	shalt  }
0x55: {  	_ =	shalt  }
0x56: {  	_ =	shalt  }
0x57: {  	_ =	shalt  }
0x58: {  	_ =	shalt  }
0x59: {  	_ =	shalt  }
0x5a: {  	_ =	shalt  }
0x5b: {  	_ =	shalt  }
0x5c: {  	_ =	shalt  }
0x5d: {  	_ =	shalt  }
0x5e: {  	_ =	shalt  }
0x5f: {  	_ =	shalt  }
0x60: {  	_ =	shalt  }
0x61: {  	_ =	shalt  }
0x62: {  	_ =	shalt  }
0x63: {  	_ =	shalt  }
0x64: {  	_ =	shalt  }
0x65: {  	_ =	shalt  }
0x66: {  	_ =	shalt  }
0x67: {  	_ =	shalt  }
0x68: {  	_ =	shalt  }
0x69: {  	_ =	shalt  }
0x6a: {  	_ =	shalt  }
0x6b: {  	_ =	shalt  }
0x6c: {  	_ =	shalt  }
0x6d: {  	_ =	shalt  }
0x6e: {  	_ =	shalt  }
0x6f: {  	_ =	shalt  }
0x70: {  	_ =	shalt  }
0x71: {  	_ =	shalt  }
0x72: {  	_ =	shalt  }
0x73: {  	_ =	shalt  }
0x74: {  	_ =	shalt  }
0x75: {  	_ =	shalt  }
0x76: {  	_ =	shalt  }
0x77: {  	_ =	shalt  }
0x78: {  	_ =	shalt  }
0x79: {  	_ =	shalt  }
0x7a: {  	_ =	shalt  }
0x7b: {  	_ =	shalt  }
0x7c: {  	_ =	shalt  }
0x7d: {  	_ =	shalt  }
0x7e: {  	_ =	shalt  }
0x7f: {  	_ =	shalt  }
0x80: {  	_ =	shalt  }
0x81: {  	_ =	shalt  }
0x82: {  	_ =	shalt  }
0x83: {  	_ =	shalt  }
0x84: {  	_ =	shalt  }
0x85: {  	_ =	shalt  }
0x86: {  	_ =	shalt  }
0x87: {  	_ =	shalt  }
.Lfunc_end0:
.L_simem_size_0:
called_computation.1_lowered:
.L_overlay_start_0:
0x88: {  	s2 =	sld [smem:$0x3FD9]  }
0x89: {  	s3 =	sld [smem:$0x3FFE];
	_ =	sdelay $0x1  }
0x8a: {  	s1 =	srdreg.scid  }
0x8b: {  	s0 =	sand.u32 $0x1, s1  }
0x8c: {  	s17 =	sshll.u32 s0, $0xA;
	s2 =	sadd.s32 s3, s2  }
0x8d: {  	s2 =	sadd.s32 s2, s17  }
0x8e: {  	[smem:$0x3FC1] =	sst s2  }
0x8f: {  	_ = 	snop  }
0x90: {  	s2 =	sld [smem:$0x3FC8]  }
0x91: {  	s18 =	sld [smem:$0x3FD0];
	(tm) =	ssettm $0x1  }
0x92: {  	s4 =	sld [smem:$0x3FFB];
	_ =	sdelay $0x3  }
0x93: {  	_ =	strace s4  }
0x94: {  	s4 =	sld [smem:$0x3FFC];
	_ =	sdelay $0x3  }
0x95: {  	_ =	strace s4  }
0x96: {  	s4 =	sld [smem:$0x3FFD];
	_ =	sdelay $0x3  }
0x97: {  	_ =	strace s4  }
0x98: {  	_ =	strace $0x8FFFFFFF  }
0x99: {  	s19 =	sld [smem:$0x3FDB];
	_ =	sdelay $0x1  }
0x9a: {  	s5 =	simm.s32 $_scs_section_size  }
0x9b: {  	s6 =	simm.s32 $_size__tile_overlayer_lowered;
	s7 =	simm.s32 $_tile_overlayer_lowered  }
0x9c: {  	s22 =	simm.s32 $0x1BFF;
	s21 =	sshll.u32 s7, $0x1;
	s4 =	sadd.s32 s5, s19  }
0x9d: {  	s8 =	simm.s32 $0x0;
	s20 =	sshll.u32 s6, $0x1;
	s6 =	sadd.s32 s21, s4  }
0x9e: {  	[timem:s8], [sflag:s22] =	dma.local [hbm:s6], s20  }
0x9f: {  	_ =	swait.ge [sflag:s22], s20  }
0xa0: {  	s5 =	ssub.s32 $0x0, s20;
	[sflag:s22] =	ssyncset.done $0x0  }
0xa1: {  	[sflag:s22] =	ssyncadd.s32 s5;
	_ =	sdelay $0x1  }
0xa2: {  	s23 =	simm.s32 $0x1B8B  }
0xa3: {  	_ =	swait.ge [sflag:s23], $0x1  }
0xa4: {  	[sflag:s23] =	ssyncset.done $0x0  }
0xa5: {  	s25 =	simm.s32 $0x1B8E;
	s24 =	sld [smem:$0x3FFE];
	[sflag:s23] =	ssyncadd.s32 $0xFFFFFFFF  }
0xa6: {  	s26 =	simm.s32 $execute0_lowered;
	[smem:$0x3FD2] =	sst s25  }
0xa7: {  	s6 =	sshll.u32 s26, $0x1;
	_ =	strace $0x80000049;
	[dreg:$0x1] =	wrdreg $0xFFFFFFFF  }
0xa8: {  	s28 =	simm.s32 $_size_execute0_lowered;
	s4 =	sadd.s32 s4, s6;
	[dreg:$0x0] =	wrdreg $0x0  }
0xa9: {  	s6 =	sshll.u32 s28, $0x1;
	[dreg:$0x2] =	wrdreg s4  }
0xaa: {  	[dreg:$0x3] =	wrdreg s6  }
0xab: {  	[dreg:$0x4] =	wrdreg $0xC0  }
0xac: {  	_ =	task [dreg:s8], $0x5FFFF  }
0xad: {  	[dreg:$0x1] =	wrdreg $0xFFFFFFFF  }
0xae: {  	[dreg:$0x0] =	wrdreg $0x60  }
0xaf: {  	[dreg:$0x2] =	wrdreg s24  }
0xb0: {  	[dreg:$0x3] =	wrdreg s18  }
0xb1: {  	[dreg:$0x4] =	wrdreg s2  }
0xb2: {  	[dreg:$0x5] =	wrdreg $0xA2800  }
0xb3: {  	[dreg:$0x6] =	wrdreg $0x9  }
0xb4: {  	_ =	task.clear_ibuf [dreg:s8], $0x7FFFF;
	_ =	strace $0x90000049  }
0xb5: {  	s29 =	simm.s32 $0x9;
	_ =	strace $0x8000004B  }
0xb6: {  	_ =	swait.ge [sflag:s29], $0x1  }
0xb7: {  	[sflag:s29] =	ssyncadd.s32 $0xFFFFFFFF  }
0xb8: {  	_ =	strace $0x9000004B  }
0xb9: {  	_ =	sfence  }
0xba: {  	s30 =	sld [smem:$0x0];
	_ =	sdelay $0x2  }
0xbb: {  	s31 =	sshll.u32 s1, $0xD;
	s1 =	sshrl.u32 s1, $0x2  }
0xbc: {  	s3 =	sand.u32 $0x4000, s31;
	s1 =	sadd.s32 s1, s30  }
0xbd: {  	s0 =	sor.u32 s3, s0;
	s1 =	sshll.u32 s1, $0x11  }
0xbe: {  	s0 =	sor.u32 s1, s0  }
0xbf: {  	s0 =	sadd.s32 $0x8F2B, s0  }
0xc0: {  	[sflag:s0] =	ssyncadd.remote.s32 $0x1  }
0xc1: {  	_ =	sfence.sel $0xFFFF  }
0xc2: {  	[dreg:$0x0] =	wrdreg $0xFFFFFFFF;
	(pc) =	sbr.abs _section_cstart, $3  }
0xc3: {  	[dreg:$0x1] =	wrdreg $0xFFFFFFFF  }
0xc4: {  	_ =	task.clear_ibuf [dreg:s8], $0x2FFFF;
	_ =	strace $0x9FFFFFFF  }
0xc5: {  	(tm) =	ssettm $0x7FFFFFFF  }
tec
execute0_lowered:
.L_overlay_start_1:
0x0: {  	(tag) =	ssettag $0x1  }
0x1: {  	s0 =	rddreg [dreg:$0x0]  }
0x2: {  	s1 =	rddreg [dreg:$0x1]  }
0x3: {  	s2 =	rddreg [dreg:$0x2]  }
0x4: {  	s3 =	rddreg [dreg:$0x3];
	s4 =	simm.s32 $0x0;
	s7 =	srdreg.scid  }
0x5: {  	s28 =	simm.s32 $0x3;
	s29 =	simm.s32 $0x40;
	s30 =	simm.s32 $0x8100  }
0x6: {  	s31 =	simm.s32 $0x8180;
	[smem:$0x7FF] =	sst s4;
	s5 =	sadd.s32 $0x1200, s0  }
0x7: {  	s6 =	sadd.s32 $0xB000, s0;
	s8 =	sadd.s32 $0x14E00, s0;
	s9 =	sand.u32 $0x1, s7  }
0x8: {  	s7 =	stileid.u32;
	s12 =	sadd.s32 $0x1EC00, s0;
	s10 =	smul.u32 $0x27100, s9  }
0x9: {  	_ =	strace $0x8000004A;
	s11 =	ssub.s32 $0x2, s9;
	s13 =	sshll.u32 s7, $0xD  }
0xa: {  	[dreg:$0x5] =	wrdreg s12;
	s0 =	sadd.s32 s10, s0;
	s10 =	sadd.s32 s13, s3  }
0xb: {  	p0 =	sgt.u32 s7, $0xB;
	s19 =	sshrl.u32 s11, $0x1;
	s20 =	sadd.s32 $0x20000, s10  }
0xc: {  	p2 =	sne.s32 @!p0 s7, $0x0;
	s21 =	sadd.s32 $0x40000, s10;
	[dreg:$0x6] =	wrdreg s20  }
0xd: {  	s12 =	ssub.s32 s11, s19;
	s22 =	sadd.s32 $0x60000, s10;
	[dreg:$0x7] =	wrdreg s21  }
0xe: {  	v0 =	vlaneseq.u32;
	s11 =	sshll.u32 s9, $0x4;
	s23 =	sadd.s32 $0x80000, s10;
	[dreg:$0x8] =	wrdreg s22  }
0xf: {  	v2 =	vand.u32 $0x1, v0;
	v1 =	vshrl.u32 v0, $0x1;
	p1 =	por p2, p0;
	s24 =	sadd.s32 $0xA0000, s10;
	[dreg:$0x9] =	wrdreg s23  }
0x10: {  	v4 =	vmul.u32 $0xFFFFFFF0, v2;
	v2 =	vimm.f32 $0.0e+00;
	v3 =	vor.u32 $0x40, v1;
	p2 =	por !p2, p0;
	s25 =	sadd.s32 $0xC0000, s10;
	[dreg:$0xa] =	wrdreg s24  }
.Ltmp0:
0x11: {  	v5 =	vor.u32 $0x8, v1;
	v6 =	vor.u32 $0x48, v1;
	v7 =	vor.u32 $0x10, v1;
	s26 =	sadd.s32 $0xE0000, s10;
	[dreg:$0xb] =	wrdreg s25;
	(pc) =	sbr.rel .LBB2_1-.Ltmp0, $4  }
0x12: {  	v8 =	vor.u32 $0x50, v1;
	v9 =	vor.u32 $0x18, v1;
	v10 =	vor.u32 $0x58, v1;
	s9 =	simm.s32 $0x1;
	s19 =	sadd.s32 $0x100000, s10;
	[dreg:$0xc] =	wrdreg s26  }
0x13: {  	v11 =	vor.u32 $0x20, v1;
	v12 =	vor.u32 $0x60, v1;
	v13 =	vor.u32 $0x28, v1;
	s20 =	sadd.s32 $0x120000, s10;
	s21 =	sadd.s32 $0x138000, s3;
	s22 =	sadd.s32 $0x1FE00, s0  }
0x14: {  	v14 =	vor.u32 $0x68, v1;
	v15 =	vor.u32 $0x30, v1;
	v16 =	vor.u32 $0x70, v1;
	s23 =	smax.u32 s12, $0x1;
	s24 =	simm.s32 $0x2;
	s25 =	simm.s32 $0x8280  }
0x15: {  	v17 =	vor.u32 $0x38, v1;
	v18 =	vor.u32 $0x78, v1;
	v4 =	vadd.s32 $0x10, v4;
	s26 =	simm.s32 $0x8080;
	s0 =	simm.s32 $0x8200;
	s12 =	simm.s32 $0x0  }
.LBB2_9:
0x16: {  	s13 =	sshll.u32 @p3 s7, $0x6;
	[bflag:$0x0] =	sbarrier.arrive $0xFFFF;
	s12 =	sadd.s32 $0x1, s12  }
0x17: {  	s14 =	sshrl.u32 @p3 s3, $0x3;
	s13 =	sor.u32 @p3 $0x1C02, s13;
	p4 =	sne.s32 s12, s23  }
0x18: {  	[hbm:s22], [sflag:s13] =	dma.local @p3 [spmem:s14], $0x27100  }
.Ltmp1:
0x19: {  	_ = 	snop;
	(pc) =	sbr.rel @!p4 .LBB2_10-.Ltmp1, $4  }
0x1a: {  	s13 =	simm.s32 @p3 $0x2  }
0x1b: {  	_ =	swait.ge @p3 [sflag:s13], $0x27100  }
0x1c: {  	[sflag:s13] =	ssyncset.done @p3 $0x0  }
0x1d: {  	[sflag:s13] =	ssyncadd.s32 @p3 $0xFFFD8F00  }
.LBB2_1:
0x1e: {  	s13 =	rddreg [dreg:$0x5]  }
0x1f: {  	[tilespmem:s4], [sflag:$0x2] =	stream.linear.gather [hbm4b:s13+s4], $0x8080, $0x38;
	[tilespmem:$0x1DB00] =	vst v63  }
0x20: {  	_ =	swait.ge [sflag:s24], $0x8080  }
0x21: {  	[sflag:s24] =	ssyncset.done $0x0  }
0x22: {  	s14 =	simm.s32 $0x200;
	s13 =	simm.s32 $0x0;
	[sflag:s24] =	ssyncadd.s32 $0xFFFF7F80  }
.LBB2_2:
0x23: {  	p3 =	sne.s32 s14, $0x7E00;
	[tilespmem:s13+$0x82F0] =	vst v2  }
0x24: {  	[tilespmem:s13+$0x8280] =	vst v2  }
0x25: {  	[tilespmem:s13+$0x8290] =	vst v2  }
.Ltmp2:
0x26: {  	[tilespmem:s13+$0x82A0] =	vst v2;
	(pc) =	sbr.rel @p3 .LBB2_2-.Ltmp2, $4  }
0x27: {  	[tilespmem:s13+$0x82B0] =	vst v2  }
0x28: {  	[tilespmem:s13+$0x82C0] =	vst v2  }
0x29: {  	[tilespmem:s13+$0x82D0] =	vst v2  }
0x2a: {  	[tilespmem:s13+$0x82E0] =	vst v2;
	s13 =	sshra.s32 s14, $0x2;
	s14 =	sadd.s32 $0x200, s14  }
0x2b: {  	[tilespmem:s13+$0x82F0] =	vst v2  }
0x2c: {  	[tilespmem:s13+$0x8280] =	vst v2  }
0x2d: {  	[tilespmem:s13+$0x8290] =	vst v2  }
0x2e: {  	[tilespmem:s13+$0x82A0] =	vst v2  }
0x2f: {  	[tilespmem:s13+$0x82B0] =	vst v2  }
0x30: {  	[tilespmem:s13+$0x82C0] =	vst v2  }
0x31: {  	[tilespmem:s13+$0x82D0] =	vst v2  }
0x32: {  	[tilespmem:s13+$0x82E0] =	vst v2  }
0x33: {  	[spmem:s10] =	stream.linear.scatter [tilespmem:s25], [sflag:$0x2], $0x2000, $0x38;
	[tilespmem:$0x1DB00] =	vst v63  }
0x34: {  	_ =	swait.ge [sflag:s24], $0x2000  }
0x35: {  	[sflag:s24] =	ssyncset.done $0x0  }
0x36: {  	s17 =	rddreg [dreg:$0x6];
	[sflag:s24] =	ssyncadd.s32 $0xFFFFE000  }
0x37: {  	[spmem:s17] =	stream.linear.scatter [tilespmem:s25], [sflag:$0x2], $0x2000, $0x38;
	[tilespmem:$0x1DB00] =	vst v63  }
0x38: {  	_ =	swait.ge [sflag:s24], $0x2000  }
0x39: {  	[sflag:s24] =	ssyncset.done $0x0  }
0x3a: {  	s18 =	rddreg [dreg:$0x7];
	[sflag:s24] =	ssyncadd.s32 $0xFFFFE000  }
0x3b: {  	[spmem:s18] =	stream.linear.scatter [tilespmem:s25], [sflag:$0x2], $0x2000, $0x38;
	[tilespmem:$0x1DB00] =	vst v63  }
0x3c: {  	_ =	swait.ge [sflag:s24], $0x2000  }
0x3d: {  	[sflag:s24] =	ssyncset.done $0x0  }
0x3e: {  	s14 =	rddreg [dreg:$0x8];
	[sflag:s24] =	ssyncadd.s32 $0xFFFFE000  }
0x3f: {  	[spmem:s14] =	stream.linear.scatter [tilespmem:s25], [sflag:$0x2], $0x2000, $0x38;
	[tilespmem:$0x1DB00] =	vst v63  }
0x40: {  	_ =	swait.ge [sflag:s24], $0x2000  }
0x41: {  	[sflag:s24] =	ssyncset.done $0x0  }
0x42: {  	s15 =	rddreg [dreg:$0x9];
	[sflag:s24] =	ssyncadd.s32 $0xFFFFE000  }
0x43: {  	[spmem:s15] =	stream.linear.scatter [tilespmem:s25], [sflag:$0x2], $0x2000, $0x38;
	[tilespmem:$0x1DB00] =	vst v63  }
0x44: {  	_ =	swait.ge [sflag:s24], $0x2000  }
0x45: {  	[sflag:s24] =	ssyncset.done $0x0  }
0x46: {  	s16 =	rddreg [dreg:$0xa];
	[sflag:s24] =	ssyncadd.s32 $0xFFFFE000  }
0x47: {  	[spmem:s16] =	stream.linear.scatter [tilespmem:s25], [sflag:$0x2], $0x2000, $0x38;
	[tilespmem:$0x1DB00] =	vst v63  }
0x48: {  	_ =	swait.ge [sflag:s24], $0x2000  }
0x49: {  	[sflag:s24] =	ssyncset.done $0x0  }
0x4a: {  	s17 =	rddreg [dreg:$0xb];
	[sflag:s24] =	ssyncadd.s32 $0xFFFFE000  }
0x4b: {  	[spmem:s17] =	stream.linear.scatter [tilespmem:s25], [sflag:$0x2], $0x2000, $0x38;
	[tilespmem:$0x1DB00] =	vst v63  }
0x4c: {  	_ =	swait.ge [sflag:s24], $0x2000  }
0x4d: {  	[sflag:s24] =	ssyncset.done $0x0  }
0x4e: {  	s18 =	rddreg [dreg:$0xc];
	[sflag:s24] =	ssyncadd.s32 $0xFFFFE000  }
0x4f: {  	[spmem:s18] =	stream.linear.scatter [tilespmem:s25], [sflag:$0x2], $0x2000, $0x38;
	[tilespmem:$0x1DB00] =	vst v63  }
0x50: {  	_ =	swait.ge [sflag:s24], $0x2000  }
0x51: {  	[sflag:s24] =	ssyncset.done $0x0  }
0x52: {  	[sflag:s24] =	ssyncadd.s32 $0xFFFFE000  }
0x53: {  	[spmem:s19] =	stream.linear.scatter [tilespmem:s25], [sflag:$0x2], $0x2000, $0x38;
	[tilespmem:$0x1DB00] =	vst v63  }
0x54: {  	_ =	swait.ge [sflag:s24], $0x2000  }
0x55: {  	[sflag:s24] =	ssyncset.done $0x0  }
0x56: {  	s13 =	simm.s32 @!p0 $0x8280;
	[sflag:s24] =	ssyncadd.s32 $0xFFFFE000  }
0x57: {  	[spmem:s20] =	stream.linear.scatter @!p0 [tilespmem:s13], [sflag:$0x2], $0x2000, $0x38;
	[tilespmem:$0x1DB00] =	vst v63  }
0x58: {  	s13 =	simm.s32 @!p0 $0x2  }
0x59: {  	_ =	swait.ge @!p0 [sflag:s13], $0x2000  }
0x5a: {  	[sflag:s13] =	ssyncset.done @!p0 $0x0  }
0x5b: {  	[sflag:s13] =	ssyncadd.s32 @!p0 $0xFFFFE000;
	s13 =	simm.s32 @!p1 $0x8280  }
0x5c: {  	[spmem:s21] =	stream.linear.scatter @!p1 [tilespmem:s13], [sflag:$0x2], $0x800, $0x38;
	[tilespmem:$0x1DB00] =	vst v63  }
0x5d: {  	s13 =	simm.s32 @!p1 $0x2  }
.Ltmp3:
0x5e: {  	_ =	swait.ge @!p1 [sflag:s13], $0x800;
	(pc) =	sbr.rel .LBB2_4-.Ltmp3, $4  }
0x5f: {  	[sflag:s13] =	ssyncset.done @!p1 $0x0  }
0x60: {  	p3 =	por @!p0 $0x0, $0x0;
	p4 =	por @!p1 $0x1, $0x1;
	[sflag:s13] =	ssyncadd.s32 @!p1 $0xFFFFF800  }
0x61: {  	p4 =	por @!p2 p3, p3;
	p3 =	por $0x0, $0x0;
	[bflag:$0x0] =	sbarrier.arrive $0xFFFF  }
0x62: {  	p3 =	por @!p0 p4, p4;
	s13 =	simm.s32 $0x0  }
.LBB2_8:
0x63: {  	s13 =	sadd.s32 $0x1, s13  }
0x64: {  	p4 =	sne.s32 s13, $0x9D  }
.Ltmp4:
0x65: {  	_ = 	snop;
	(pc) =	sbr.rel @!p4 .LBB2_9-.Ltmp4, $1  }
0x66: {  	_ =	sdelay $0x3  }
.LBB2_4:
0x67: {  	s14 =	sshll.u32 s13, $0x5  }
0x68: {  	s14 =	sor.u32 s14, s11  }
0x69: {  	s14 =	sor.u32 s7, s14  }
0x6a: {  	p4 =	sgt.u32 s14, $0x1387  }
.Ltmp5:
0x6b: {  	_ = 	snop;
	(pc) =	sbr.rel @p4 .LBB2_8-.Ltmp5, $1  }
0x6c: {  	_ =	sdelay $0x3  }
0x6d: {  	s14 =	sshll.u32 s14, $0x3  }
0x6e: {  	s16 =	simm.s32 $0x0;
	s15 =	sadd.s32 s5, s14  }
0x6f: {  	[tilespmem:s26], [sflag:$0x3] =	stream.linear.gather [hbm4b:s15+s16], $0x40, $0x38;
	[tilespmem:$0x1DB00] =	vst v63  }
0x70: {  	_ =	swait.ge [sflag:s28], $0x40  }
0x71: {  	[sflag:s28] =	ssyncset.done $0x0  }
0x72: {  	[sflag:s28] =	ssyncadd.s32 $0xFFFFFFC0  }
0x73: {  	[tilespmem:s25], [sflag:$0x1] =	stream.indirect.gather [hbm4b:s2+s29], $0x80, s26, s29, $0xb8;
	[tilespmem:$0x1DB00] =	vst v63  }
0x74: {  	s18 =	sadd.s32 s1, s14  }
0x75: {  	[tilespmem:s30], [sflag:$0x3] =	stream.linear.gather [hbm4b:s18+s16], $0x40, $0x38;
	[tilespmem:$0x1DB00] =	vst v63  }
0x76: {  	_ =	swait.ge [sflag:s28], $0x40  }
0x77: {  	[sflag:s28] =	ssyncset.done $0x0  }
0x78: {  	s17 =	sadd.s32 s6, s14;
	[sflag:s28] =	ssyncadd.s32 $0xFFFFFFC0  }
0x79: {  	[tilespmem:s31], [sflag:$0x3] =	stream.linear.gather [hbm4b:s17+s16], $0x40, $0x38;
	[tilespmem:$0x1DB00] =	vst v63  }
0x7a: {  	_ =	swait.ge [sflag:s28], $0x40  }
0x7b: {  	[sflag:s28] =	ssyncset.done $0x0  }
0x7c: {  	s14 =	sadd.s32 s8, s14;
	[sflag:s28] =	ssyncadd.s32 $0xFFFFFFC0  }
0x7d: {  	[tilespmem:s0], [sflag:$0x3] =	stream.linear.gather [hbm4b:s14+s16], $0x40, $0x38;
	[tilespmem:$0x1DB00] =	vst v63  }
0x7e: {  	_ =	swait.ge [sflag:s28], $0x40  }
0x7f: {  	[sflag:s28] =	ssyncset.done $0x0  }
0x80: {  	[sflag:s28] =	ssyncadd.s32 $0xFFFFFFC0  }
0x81: {  	_ =	swait.ge [sflag:s9], $0x2000  }
0x82: {  	[sflag:s9] =	ssyncset.done $0x0  }
0x83: {  	s18 =	sand.u32 $0x30, s16;
	[sflag:s9] =	ssyncadd.s32 $0xFFFFE000  }
0x84: {  	v19 =	vld [tilespmem:s18+$0x8180];
	_ =	sdelay $0x1  }
0x85: {  	s16 =	sand.u32 $0xF, s16  }
0x86: {  	v20 =	vmov s16  }
0x87: {  	vm0 =	veq.s32 v20, v0  }
0x88: {  	v19 =	vnsel vm0, $0x0, v19  }
0x89: {  	(xrf0) =	vadd.scan.msk.s32 $0xffff, v19;
	_ =	sdelay $0x5  }
0x8a: {  	v19, _, _ =	vpop (xrf0)  }
0x8b: {  	(v2sf) =	vpush v19, $0xF;
	_ =	sdelay $0xd  }
0x8c: {  	v19 =	vld [tilespmem:s18+$0x8200]  }
0x8d: {  	s17 =	spop (v2sf)  }
0x8e: {  	s18 =	sshll.u32 s17, $0x6  }
0x8f: {  	v20 =	vor.u32 s18, v1;
	_ =	sdelay $0x1  }
0x90: {  	v19 =	vnsel vm0, $0x0, v19;
	v21 =	vadd.s32 s18, v3  }
0x91: {  	(xrf2) =	vadd.scan.msk.f32 $0xffff, v19;
	_ =	sdelay $0x1  }
0x92: {  	v19 =	vld.idx.msk [tilespmem:v20+s4+$0x0], $0xffff;
	_ =	sdelay $0x1  }
0x93: {  	v20 =	vld.idx.msk [tilespmem:v21+s4+$0x0], $0xffff;
	_ =	sdelay $0x2  }
0x94: {  	v19 =	vshll.u32 v19, v4;
	_ =	sdelay $0x1  }
0x95: {  	v20 =	vshll.u32 v20, v4  }
0x96: {  	v21 =	vand.u32 $0xFFFF0000, v19;
	v20 =	vand.u32 $0xFFFF0000, v20;
	v19, _, _ =	vpop (xrf2)  }
0x97: {  	s14 =	simm.s32 $0x82C0;
	v20 =	vsub.f32 v20, v21;
	v19 =	vbroadcast v19, $0xF  }
0x98: {  	v22 =	vld [tilespmem:s14+$0xFFFFFFC0]  }
0x99: {  	v20 =	vmul.f32 v20, v19;
	_ =	sdelay $0x1  }
0x9a: {  	v20 =	vadd.f32 v21, v20;
	v21 =	vor.u32 s18, v5  }
0x9b: {  	v23 =	vadd.s32 s18, v6  }
0x9c: {  	v20 =	vmul.f32 v20, v22;
	_ =	sdelay $0x1  }
0x9d: {  	[tilespmem:s14+$0xFFFFFFC0] =	vst v20  }
0x9e: {  	v20 =	vld.idx.msk [tilespmem:v21+s4+$0x0], $0xffff  }
0x9f: {  	v21 =	vld.idx.msk [tilespmem:v23+s4+$0x0], $0xffff;
	_ =	sdelay $0x4  }
0xa0: {  	v20 =	vshll.u32 v20, v4;
	v21 =	vshll.u32 v21, v4  }
0xa1: {  	v20 =	vand.u32 $0xFFFF0000, v20;
	v21 =	vand.u32 $0xFFFF0000, v21  }
0xa2: {  	v21 =	vsub.f32 v21, v20  }
0xa3: {  	v22 =	vld [tilespmem:s14+$0xFFFFFFD0]  }
0xa4: {  	v21 =	vmul.f32 v21, v19;
	_ =	sdelay $0x1  }
0xa5: {  	v20 =	vadd.f32 v20, v21;
	v21 =	vor.u32 s18, v7  }
0xa6: {  	v23 =	vadd.s32 s18, v8  }
0xa7: {  	v20 =	vmul.f32 v20, v22;
	_ =	sdelay $0x1  }
0xa8: {  	[tilespmem:s14+$0xFFFFFFD0] =	vst v20  }
0xa9: {  	v20 =	vld.idx.msk [tilespmem:v21+s4+$0x0], $0xffff  }
0xaa: {  	v21 =	vld.idx.msk [tilespmem:v23+s4+$0x0], $0xffff;
	_ =	sdelay $0x4  }
0xab: {  	v20 =	vshll.u32 v20, v4;
	v21 =	vshll.u32 v21, v4  }
0xac: {  	v20 =	vand.u32 $0xFFFF0000, v20;
	v21 =	vand.u32 $0xFFFF0000, v21  }
0xad: {  	v21 =	vsub.f32 v21, v20  }
0xae: {  	v22 =	vld [tilespmem:s14+$0xFFFFFFE0]  }
0xaf: {  	v21 =	vmul.f32 v21, v19;
	_ =	sdelay $0x1  }
0xb0: {  	v20 =	vadd.f32 v20, v21;
	v21 =	vor.u32 s18, v9  }
0xb1: {  	v23 =	vadd.s32 s18, v10  }
0xb2: {  	v20 =	vmul.f32 v20, v22;
	_ =	sdelay $0x1  }
0xb3: {  	[tilespmem:s14+$0xFFFFFFE0] =	vst v20  }
0xb4: {  	v20 =	vld.idx.msk [tilespmem:v21+s4+$0x0], $0xffff  }
0xb5: {  	v21 =	vld.idx.msk [tilespmem:v23+s4+$0x0], $0xffff;
	_ =	sdelay $0x4  }
0xb6: {  	v20 =	vshll.u32 v20, v4;
	v21 =	vshll.u32 v21, v4  }
0xb7: {  	v20 =	vand.u32 $0xFFFF0000, v20;
	v21 =	vand.u32 $0xFFFF0000, v21  }
0xb8: {  	v21 =	vsub.f32 v21, v20  }
0xb9: {  	v22 =	vld [tilespmem:s14+$0xFFFFFFF0]  }
0xba: {  	v21 =	vmul.f32 v21, v19;
	_ =	sdelay $0x1  }
0xbb: {  	v20 =	vadd.f32 v20, v21;
	v21 =	vor.u32 s18, v11  }
0xbc: {  	v23 =	vadd.s32 s18, v12  }
0xbd: {  	v20 =	vmul.f32 v20, v22;
	_ =	sdelay $0x1  }
0xbe: {  	[tilespmem:s14+$0xFFFFFFF0] =	vst v20  }
0xbf: {  	v20 =	vld.idx.msk [tilespmem:v21+s4+$0x0], $0xffff  }
0xc0: {  	v21 =	vld.idx.msk [tilespmem:v23+s4+$0x0], $0xffff;
	_ =	sdelay $0x4  }
0xc1: {  	v20 =	vshll.u32 v20, v4;
	v21 =	vshll.u32 v21, v4  }
0xc2: {  	v20 =	vand.u32 $0xFFFF0000, v20;
	v21 =	vand.u32 $0xFFFF0000, v21  }
0xc3: {  	v21 =	vsub.f32 v21, v20  }
0xc4: {  	v22 =	vld [tilespmem:s14+$0x0]  }
0xc5: {  	v21 =	vmul.f32 v21, v19;
	_ =	sdelay $0x1  }
0xc6: {  	v20 =	vadd.f32 v20, v21;
	v21 =	vor.u32 s18, v13  }
0xc7: {  	v23 =	vadd.s32 s18, v14  }
0xc8: {  	v20 =	vmul.f32 v20, v22;
	_ =	sdelay $0x1  }
0xc9: {  	[tilespmem:s14+$0x0] =	vst v20  }
0xca: {  	v20 =	vld.idx.msk [tilespmem:v21+s4+$0x0], $0xffff  }
0xcb: {  	v21 =	vld.idx.msk [tilespmem:v23+s4+$0x0], $0xffff;
	_ =	sdelay $0x4  }
0xcc: {  	v20 =	vshll.u32 v20, v4;
	v21 =	vshll.u32 v21, v4  }
0xcd: {  	v20 =	vand.u32 $0xFFFF0000, v20;
	v21 =	vand.u32 $0xFFFF0000, v21  }
0xce: {  	v21 =	vsub.f32 v21, v20  }
0xcf: {  	v22 =	vld [tilespmem:s14+$0x10]  }
0xd0: {  	v21 =	vmul.f32 v21, v19;
	_ =	sdelay $0x1  }
0xd1: {  	v20 =	vadd.f32 v20, v21;
	v21 =	vor.u32 s18, v15  }
0xd2: {  	v23 =	vadd.s32 s18, v16  }
0xd3: {  	v20 =	vmul.f32 v20, v22;
	_ =	sdelay $0x1  }
0xd4: {  	[tilespmem:s14+$0x10] =	vst v20  }
0xd5: {  	v20 =	vld.idx.msk [tilespmem:v21+s4+$0x0], $0xffff  }
0xd6: {  	v21 =	vld.idx.msk [tilespmem:v23+s4+$0x0], $0xffff;
	_ =	sdelay $0x4  }
0xd7: {  	v20 =	vshll.u32 v20, v4;
	v21 =	vshll.u32 v21, v4  }
0xd8: {  	v20 =	vand.u32 $0xFFFF0000, v20;
	v21 =	vand.u32 $0xFFFF0000, v21  }
0xd9: {  	v21 =	vsub.f32 v21, v20  }
0xda: {  	v22 =	vld [tilespmem:s14+$0x20]  }
0xdb: {  	v21 =	vmul.f32 v21, v19;
	_ =	sdelay $0x1  }
0xdc: {  	v20 =	vadd.f32 v20, v21;
	v21 =	vor.u32 s18, v17  }
0xdd: {  	v23 =	vadd.s32 s18, v18  }
0xde: {  	v20 =	vmul.f32 v20, v22;
	_ =	sdelay $0x1  }
0xdf: {  	[tilespmem:s14+$0x20] =	vst v20  }
0xe0: {  	v20 =	vld.idx.msk [tilespmem:v21+s4+$0x0], $0xffff  }
0xe1: {  	v21 =	vld.idx.msk [tilespmem:v23+s4+$0x0], $0xffff;
	_ =	sdelay $0x4  }
0xe2: {  	v22 =	vshll.u32 v20, v4;
	v23 =	vshll.u32 v21, v4  }
0xe3: {  	s15 =	simm.s32 $0x82C0;
	s16 =	simm.s32 $0x1;
	v20 =	vld [tilespmem:s14+$0x30];
	v21 =	vand.u32 $0xFFFF0000, v22;
	v22 =	vand.u32 $0xFFFF0000, v23  }
.LBB2_6:
0xe4: {  	p4 =	sne.s32 s16, $0x3F  }
0xe5: {  	v22 =	vsub.f32 v22, v21;
	s14 =	sadd.s32 $0x80, s14;
	s17 =	smov.u32 s16;
	s16 =	sadd.s32 $0x1, s16  }
0xe6: {  	_ = 	snop  }
0xe7: {  	v19 =	vmul.f32 v22, v19;
	_ =	sdelay $0x1  }
0xe8: {  	v19 =	vadd.f32 v21, v19;
	_ =	sdelay $0x1  }
0xe9: {  	v19 =	vmul.f32 v19, v20;
	_ =	sdelay $0x1  }
0xea: {  	s18 =	sand.u32 $0x30, s17;
	[tilespmem:s15+$0x30] =	vst v19;
	s15 =	smov.u32 s14  }
0xeb: {  	v19 =	vld [tilespmem:s18+$0x8180];
	_ =	sdelay $0x1  }
0xec: {  	s17 =	sand.u32 $0xF, s17  }
0xed: {  	v20 =	vmov s17  }
0xee: {  	vm0 =	veq.s32 v20, v0  }
0xef: {  	v19 =	vnsel vm0, $0x0, v19  }
0xf0: {  	(xrf0) =	vadd.scan.msk.s32 $0xffff, v19;
	_ =	sdelay $0x5  }
0xf1: {  	v19, _, _ =	vpop (xrf0)  }
0xf2: {  	(v2sf) =	vpush v19, $0xF;
	_ =	sdelay $0xc  }
0xf3: {  	v19 =	vld [tilespmem:s18+$0x8200];
	_ =	sdelay $0x1  }
0xf4: {  	s17 =	spop (v2sf)  }
0xf5: {  	s17 =	sshll.u32 s17, $0x6  }
0xf6: {  	v20 =	vor.u32 s17, v1;
	v21 =	vadd.s32 s17, v3  }
0xf7: {  	v19 =	vnsel vm0, $0x0, v19  }
0xf8: {  	(xrf2) =	vadd.scan.msk.f32 $0xffff, v19;
	_ =	sdelay $0x2  }
0xf9: {  	v19 =	vld.idx.msk [tilespmem:v20+s4+$0x0], $0xffff  }
0xfa: {  	v20 =	vld.idx.msk [tilespmem:v21+s4+$0x0], $0xffff;
	_ =	sdelay $0x4  }
0xfb: {  	v22 =	vshll.u32 v19, v4  }
0xfc: {  	v21 =	vand.u32 $0xFFFF0000, v22;
	v20 =	vshll.u32 v20, v4;
	v19, _, _ =	vpop (xrf2)  }
0xfd: {  	v20 =	vand.u32 $0xFFFF0000, v20;
	v19 =	vbroadcast v19, $0xF  }
0xfe: {  	v20 =	vsub.f32 v20, v21;
	v22 =	vld [tilespmem:s14+$0xFFFFFFC0];
	_ =	sdelay $0x1  }
0xff: {  	v20 =	vmul.f32 v20, v19;
	_ =	sdelay $0x1  }
0x100: {  	v23 =	vadd.s32 s17, v6;
	v20 =	vadd.f32 v21, v20;
	v21 =	vor.u32 s17, v5;
	_ =	sdelay $0x1  }
0x101: {  	v20 =	vmul.f32 v20, v22;
	_ =	sdelay $0x1  }
0x102: {  	[tilespmem:s14+$0xFFFFFFC0] =	vst v20  }
0x103: {  	v20 =	vld.idx.msk [tilespmem:v21+s4+$0x0], $0xffff  }
0x104: {  	v21 =	vld.idx.msk [tilespmem:v23+s4+$0x0], $0xffff;
	_ =	sdelay $0x4  }
0x105: {  	v20 =	vshll.u32 v20, v4  }
0x106: {  	v20 =	vand.u32 $0xFFFF0000, v20;
	v21 =	vshll.u32 v21, v4  }
0x107: {  	v21 =	vand.u32 $0xFFFF0000, v21;
	v22 =	vld [tilespmem:s14+$0xFFFFFFD0]  }
0x108: {  	v21 =	vsub.f32 v21, v20;
	_ =	sdelay $0x1  }
0x109: {  	v21 =	vmul.f32 v21, v19;
	_ =	sdelay $0x1  }
0x10a: {  	v23 =	vadd.s32 s17, v8;
	v20 =	vadd.f32 v20, v21;
	v21 =	vor.u32 s17, v7;
	_ =	sdelay $0x1  }
0x10b: {  	v20 =	vmul.f32 v20, v22;
	_ =	sdelay $0x1  }
0x10c: {  	[tilespmem:s14+$0xFFFFFFD0] =	vst v20  }
0x10d: {  	v20 =	vld.idx.msk [tilespmem:v21+s4+$0x0], $0xffff  }
0x10e: {  	v21 =	vld.idx.msk [tilespmem:v23+s4+$0x0], $0xffff;
	_ =	sdelay $0x4  }
0x10f: {  	v20 =	vshll.u32 v20, v4  }
0x110: {  	v20 =	vand.u32 $0xFFFF0000, v20;
	v21 =	vshll.u32 v21, v4;
	v22 =	vld [tilespmem:s14+$0xFFFFFFE0]  }
0x111: {  	v21 =	vand.u32 $0xFFFF0000, v21  }
0x112: {  	v21 =	vsub.f32 v21, v20;
	_ =	sdelay $0x1  }
0x113: {  	v21 =	vmul.f32 v21, v19;
	_ =	sdelay $0x1  }
0x114: {  	v23 =	vadd.s32 s17, v10;
	v20 =	vadd.f32 v20, v21;
	v21 =	vor.u32 s17, v9;
	_ =	sdelay $0x1  }
0x115: {  	v20 =	vmul.f32 v20, v22;
	_ =	sdelay $0x1  }
0x116: {  	[tilespmem:s14+$0xFFFFFFE0] =	vst v20  }
0x117: {  	v20 =	vld.idx.msk [tilespmem:v21+s4+$0x0], $0xffff  }
0x118: {  	v21 =	vld.idx.msk [tilespmem:v23+s4+$0x0], $0xffff;
	_ =	sdelay $0x4  }
0x119: {  	v20 =	vshll.u32 v20, v4;
	v22 =	vld [tilespmem:s14+$0xFFFFFFF0]  }
0x11a: {  	v20 =	vand.u32 $0xFFFF0000, v20;
	v21 =	vshll.u32 v21, v4  }
0x11b: {  	v21 =	vand.u32 $0xFFFF0000, v21  }
0x11c: {  	v21 =	vsub.f32 v21, v20;
	_ =	sdelay $0x1  }
0x11d: {  	v21 =	vmul.f32 v21, v19;
	_ =	sdelay $0x1  }
0x11e: {  	v23 =	vadd.s32 s17, v12;
	v20 =	vadd.f32 v20, v21;
	v21 =	vor.u32 s17, v11;
	_ =	sdelay $0x1  }
0x11f: {  	v20 =	vmul.f32 v20, v22;
	_ =	sdelay $0x1  }
0x120: {  	[tilespmem:s14+$0xFFFFFFF0] =	vst v20  }
0x121: {  	v20 =	vld.idx.msk [tilespmem:v21+s4+$0x0], $0xffff  }
0x122: {  	v21 =	vld.idx.msk [tilespmem:v23+s4+$0x0], $0xffff;
	_ =	sdelay $0x3  }
0x123: {  	v22 =	vld [tilespmem:s14+$0x0]  }
0x124: {  	v20 =	vshll.u32 v20, v4  }
0x125: {  	v20 =	vand.u32 $0xFFFF0000, v20;
	v21 =	vshll.u32 v21, v4  }
0x126: {  	v21 =	vand.u32 $0xFFFF0000, v21  }
0x127: {  	v21 =	vsub.f32 v21, v20;
	_ =	sdelay $0x1  }
0x128: {  	v21 =	vmul.f32 v21, v19;
	_ =	sdelay $0x1  }
0x129: {  	v23 =	vadd.s32 s17, v14;
	v20 =	vadd.f32 v20, v21;
	v21 =	vor.u32 s17, v13;
	_ =	sdelay $0x1  }
0x12a: {  	v20 =	vmul.f32 v20, v22;
	_ =	sdelay $0x1  }
0x12b: {  	[tilespmem:s14+$0x0] =	vst v20  }
0x12c: {  	v20 =	vld.idx.msk [tilespmem:v21+s4+$0x0], $0xffff  }
0x12d: {  	v21 =	vld.idx.msk [tilespmem:v23+s4+$0x0], $0xffff;
	_ =	sdelay $0x2  }
0x12e: {  	v22 =	vld [tilespmem:s14+$0x10];
	_ =	sdelay $0x1  }
0x12f: {  	v20 =	vshll.u32 v20, v4  }
0x130: {  	v20 =	vand.u32 $0xFFFF0000, v20;
	v21 =	vshll.u32 v21, v4  }
0x131: {  	v21 =	vand.u32 $0xFFFF0000, v21  }
0x132: {  	v21 =	vsub.f32 v21, v20;
	_ =	sdelay $0x1  }
0x133: {  	v21 =	vmul.f32 v21, v19;
	_ =	sdelay $0x1  }
0x134: {  	v23 =	vadd.s32 s17, v16;
	v20 =	vadd.f32 v20, v21;
	v21 =	vor.u32 s17, v15;
	_ =	sdelay $0x1  }
0x135: {  	v20 =	vmul.f32 v20, v22;
	_ =	sdelay $0x1  }
0x136: {  	[tilespmem:s14+$0x10] =	vst v20  }
0x137: {  	v20 =	vld.idx.msk [tilespmem:v21+s4+$0x0], $0xffff  }
0x138: {  	v21 =	vld.idx.msk [tilespmem:v23+s4+$0x0], $0xffff;
	_ =	sdelay $0x1  }
0x139: {  	v22 =	vld [tilespmem:s14+$0x20];
	_ =	sdelay $0x2  }
0x13a: {  	v20 =	vshll.u32 v20, v4  }
0x13b: {  	v20 =	vand.u32 $0xFFFF0000, v20;
	v21 =	vshll.u32 v21, v4  }
0x13c: {  	v21 =	vand.u32 $0xFFFF0000, v21  }
0x13d: {  	v21 =	vsub.f32 v21, v20;
	_ =	sdelay $0x1  }
0x13e: {  	v21 =	vmul.f32 v21, v19;
	_ =	sdelay $0x1  }
0x13f: {  	v23 =	vadd.s32 s17, v18;
	v20 =	vadd.f32 v20, v21;
	v21 =	vor.u32 s17, v17;
	_ =	sdelay $0x1  }
0x140: {  	v20 =	vmul.f32 v20, v22;
	_ =	sdelay $0x1  }
0x141: {  	[tilespmem:s14+$0x20] =	vst v20  }
0x142: {  	v21 =	vld.idx.msk [tilespmem:v21+s4+$0x0], $0xffff  }
0x143: {  	v22 =	vld.idx.msk [tilespmem:v23+s4+$0x0], $0xffff  }
0x144: {  	v20 =	vld [tilespmem:s14+$0x30];
	_ =	sdelay $0x1  }
.Ltmp6:
0x145: {  	(pc) =	sbr.rel @p4 .LBB2_6-.Ltmp6, $4  }
0x146: {  	_ = 	snop  }
0x147: {  	v21 =	vshll.u32 v21, v4  }
0x148: {  	v21 =	vand.u32 $0xFFFF0000, v21;
	v22 =	vshll.u32 v22, v4  }
0x149: {  	v22 =	vand.u32 $0xFFFF0000, v22  }
0x14a: {  	v22 =	vsub.f32 v22, v21;
	_ =	sdelay $0x1  }
0x14b: {  	v19 =	vmul.f32 v22, v19;
	_ =	sdelay $0x1  }
0x14c: {  	v19 =	vadd.f32 v21, v19;
	_ =	sdelay $0x1  }
0x14d: {  	v19 =	vmul.f32 v19, v20;
	_ =	sdelay $0x1  }
.Ltmp7:
0x14e: {  	[tilespmem:s15+$0x30] =	vst v19;
	(pc) =	sbr.rel .LBB2_8-.Ltmp7, $4  }
0x14f: {  	[spmem:s3] =	stream.indirect.scatter.add.f32 [tilespmem:s25], [sflag:$0x2], $0x80, s30, s29, $0xb8;
	[tilespmem:$0x1DB00] =	vst v63  }
0x150: {  	_ =	swait.ge [sflag:s24], $0x2000  }
0x151: {  	[sflag:s24] =	ssyncset.done $0x0  }
0x152: {  	[sflag:s24] =	ssyncadd.s32 $0xFFFFE000  }
.LBB2_10:
0x153: {  	_ =	sfence.sel $0x180000  }
0x154: {  	[bflag:$0x0] =	sbarrier.arrive $0xFFFF  }
0x155: {  	_ =	strace $0x9000004A  }
0x156: {  	[bflag:$0x2] =	sbarrier.arrive $0xFFFF  }
0x157: {  	p0 =	sne.s32 s7, $0x0;
	s0 =	rddreg [dreg:$0x4]  }
0x158: {  	s0 =	sadd.s32 @!p0 $0x100000, s0  }
0x159: {  	[sflag:s0] =	ssyncadd.tile.s32 @!p0 $0x1;
	_ =	shalt  }
.Lfunc_end2:
_tile_overlayer_lowered:
.L_overlay_start_2:
0x15a: {  	(tag) =	ssettag $0x2  }
0x15b: {  	s0 =	rddreg [dreg:$0x0];
	s2 =	stileid.u32  }
0x15c: {  	s1 =	rddreg [dreg:$0x1];
	p0 =	sne.s32 s2, $0x0  }
0x15d: {  	s3 =	rddreg [dreg:$0x2];
	[bflag:$0x3] =	sbarrier.arrive $0xFFFF;
	s2 =	simm.s32 @!p0 $0x1C02  }
0x15e: {  	[timem:s3], [sflag:s2] =	dma.local @!p0 [hbm:s0], s1  }
0x15f: {  	s0 =	simm.s32 @!p0 $0x2  }
0x160: {  	_ =	swait.ge @!p0 [sflag:s0], s1  }
0x161: {  	s1 =	ssub.s32 @!p0 $0x0, s1;
	[sflag:s0] =	ssyncset.done @!p0 $0x0  }
0x162: {  	[sflag:s0] =	ssyncadd.s32 @!p0 s1  }
0x163: {  	[bflag:$0x3] =	sbarrier.arrive $0xFFFF  }
0x164: {  	_ =	shalt  }

</sc_bundles>
